<compile_context>
chip_gen: v7x
topology: tpu7x:2x2x1
jax: 0.10.2.dev20260603
libtpu: 0.0.44.dev20260713+nightly
codegen_flags: <defaults>
</compile_context>

<pallas_src>
import functools

import jax
import jax.numpy as jnp
from jax import lax
from jax.experimental import pallas as pl
from jax.experimental.pallas import tpu as pltpu
from jax.experimental.pallas import tpu_sc as plsc

_N = 10000
_E = 320000
_D = 128
_H = 32
_O = 64

_NC = 2
_NS = 16
_NW = _NC * _NS
_C = _O // _NS
_K = 2048
_CHUNKS = 79
_EH = _K * _CHUNKS
_EPAD = _NC * _EH


def _mlp_body(f_ref, w1_ref, b1_ref, w2_ref, b2_ref, o_ref):
    h = jnp.dot(f_ref[...], w1_ref[...], preferred_element_type=jnp.float32)
    h = jnp.maximum(h + b1_ref[...], 0.0)
    y = jnp.dot(h, w2_ref[...], preferred_element_type=jnp.float32) + b2_ref[...]
    o_ref[...] = y.T


def _mlp_t(features, W1, b1, W2, b2):
    return pl.pallas_call(
        _mlp_body,
        out_shape=jax.ShapeDtypeStruct((_O, _N), jnp.float32),
    )(features, W1, b1, W2, b2)


_mesh = plsc.VectorSubcoreMesh(core_axis_name="c", subcore_axis_name="s")


@functools.partial(
    pl.kernel,
    out_type=jax.ShapeDtypeStruct((_NC, _O, _N), jnp.float32),
    compiler_params=pltpu.CompilerParams(
        use_tc_tiling_on_sc=False, needs_layout_passes=False
    ),
    mesh=_mesh,
    scratch_types=[
        pltpu.VMEM((_C, _N), jnp.float32),
        pltpu.VMEM((_C, _N), jnp.float32),
        [pltpu.VMEM((_K,), jnp.int32)] * 2,
        [pltpu.VMEM((_K,), jnp.int32)] * 2,
        [pltpu.VMEM((_K,), jnp.float32)] * 2,
        [pltpu.SemaphoreType.DMA] * 2,
    ],
)
def _aggregate(xt_hbm, src_hbm, dst_hbm, adj_hbm, out_hbm,
               xt_v, acc_v, srcs, dsts, adjs, sems):
    cid = lax.axis_index("c")
    sid = lax.axis_index("s")
    colbase = sid * _C

    pltpu.sync_copy(xt_hbm.at[pl.ds(colbase, _C)], xt_v)

    @pl.loop(0, _N // 16)
    def _zero(r):
        for c in range(_C):
            acc_v[c, pl.ds(r * 16, 16)] = jnp.zeros((16,), jnp.float32)

    def _load_start(i, b):
        off = pl.ds(i * _K, _K)
        pltpu.async_copy(src_hbm.at[cid, off], srcs[b], sems[b])
        pltpu.async_copy(dst_hbm.at[cid, off], dsts[b], sems[b])
        pltpu.async_copy(adj_hbm.at[cid, off], adjs[b], sems[b])

    def _load_wait(i, b):
        off = pl.ds(i * _K, _K)
        pltpu.make_async_copy(src_hbm.at[cid, off], srcs[b], sems[b]).wait()
        pltpu.make_async_copy(dst_hbm.at[cid, off], dsts[b], sems[b]).wait()
        pltpu.make_async_copy(adj_hbm.at[cid, off], adjs[b], sems[b]).wait()

    def _process(b):
        @plsc.parallel_loop(0, _K // 16, unroll=8)
        def _grp(g):
            sl = pl.ds(g * 16, 16)
            sv = srcs[b][sl]
            dv = dsts[b][sl]
            av = adjs[b][sl]
            for c in range(_C):
                cv = jnp.full((16,), c, jnp.int32)
                x = plsc.load_gather(xt_v, [cv, sv])
                plsc.addupdate_scatter(acc_v, [cv, dv], x * av)

    _load_start(0, 0)

    @pl.loop(0, _CHUNKS - 1, step=2)
    def _main(i):
        _load_wait(i, 0)
        _load_start(i + 1, 1)
        _process(0)
        _load_wait(i + 1, 1)

        @pl.when(i + 2 < _CHUNKS)
        def _():
            _load_start(i + 2, 0)

        _process(1)

    _load_wait(_CHUNKS - 1, 0)
    _process(0)

    pltpu.sync_copy(acc_v, out_hbm.at[cid, pl.ds(colbase, _C)])


def _t_body(a_ref, o_ref):
    o_ref[...] = (a_ref[0] + a_ref[1]).T


def _transpose_back(aggT):
    return pl.pallas_call(
        _t_body,
        out_shape=jax.ShapeDtypeStruct((_N, _O), jnp.float32),
    )(aggT)


def kernel(features, edge_index, adj_values, W1, b1, W2, b2):
    xT = _mlp_t(features, W1, b1.reshape(1, _H), W2, b2.reshape(1, _O))

    pad = _EPAD - _E
    src = jnp.pad(edge_index[1], (0, pad)).reshape(_NC, _EH)
    dst = jnp.pad(edge_index[0], (0, pad)).reshape(_NC, _EH)
    adj = jnp.pad(adj_values, (0, pad)).reshape(_NC, _EH)

    aggT = _aggregate(xT, src, dst, adj)
    return _transpose_back(aggT)

# --- scband reference (transcript-rebuilt; emitter-appended) ---
"""Pipeline reference for scband-py-graph-sage-35957466202228 (READ-ONLY COPY).

The authoritative reference and input builder live on the scoring server;
editing this copy changes nothing except your own understanding.
"""

import jax, jax.numpy as jnp
import numpy as np

N = 10000
E = 320000
D = 128
H = 32
O = 64


def setup_inputs(seed: int = 0) -> dict:
    key = jax.random.key(seed)
    ks = jax.random.split(key, 8)
    features = jax.random.normal(ks[0], (N, D), dtype=jnp.float32)
    edge_index = jax.random.randint(ks[1], (2, E), 0, N, dtype=jnp.int32)
    adj_values = jax.random.uniform(ks[2], (E,), dtype=jnp.float32)
    # learned parameters (fc1: D->H, fc2: H->O), sized per init_kwargs
    W1 = jax.random.normal(ks[3], (D, H), dtype=jnp.float32) * 0.05
    b1 = jnp.zeros((H,), dtype=jnp.float32)
    W2 = jax.random.normal(ks[4], (H, O), dtype=jnp.float32) * 0.05
    b2 = jnp.zeros((O,), dtype=jnp.float32)
    return {
        "features": features,
        "edge_index": edge_index,
        "adj_values": adj_values,
        "W1": W1,
        "b1": b1,
        "W2": W2,
        "b2": b2,
    }


def reference(features, edge_index, adj_values, W1, b1, W2, b2):
    # fc1 + ReLU (dropout is identity in eval mode)
    x = jnp.maximum(features @ W1 + b1, 0.0)
    # fc2
    x = x @ W2 + b2
    # sparse adjacency matmul: out[i] = sum_j A[i, j] * x[j]
    # adj in COO form: edge_index[0] = row (dst), edge_index[1] = col (src)
    dst = edge_index[0]
    src = edge_index[1]
    gathered = x[src] * adj_values[:, None]  # gather + scale
    out = jax.ops.segment_sum(gathered, dst, num_segments=N)  # scatter-add
    return out

if __name__ == "__main__":
    import jax
    _d = setup_inputs()
    print(jax.jit(kernel)(*tuple(_d.values())))

</pallas_src>

<mosaic_0001>
#map = affine_map<(d0, d1) -> (0, 0)>
#map1 = affine_map<(d0, d1) -> (0, 0, 0)>
module attributes {stable_mosaic.version = 14 : i64} {
  func.func @_aggregate(%arg0: i32, %arg1: i32, %arg2: memref<64x10000xf32, #tpu.memory_space<hbm>>, %arg3: memref<2x161792xi32, #tpu.memory_space<hbm>>, %arg4: memref<2x161792xi32, #tpu.memory_space<hbm>>, %arg5: memref<2x161792xf32, #tpu.memory_space<hbm>>, %arg6: memref<2x64x10000xf32, #tpu.memory_space<hbm>>, %arg7: memref<4x10000xf32, #tpu.memory_space<vmem>>, %arg8: memref<4x10000xf32, #tpu.memory_space<vmem>>, %arg9: memref<2048xi32, #tpu.memory_space<vmem>>, %arg10: memref<2048xi32, #tpu.memory_space<vmem>>, %arg11: memref<2048xi32, #tpu.memory_space<vmem>>, %arg12: memref<2048xi32, #tpu.memory_space<vmem>>, %arg13: memref<2048xf32, #tpu.memory_space<vmem>>, %arg14: memref<2048xf32, #tpu.memory_space<vmem>>, %arg15: memref<!tpu.dma_semaphore, #tpu.memory_space<semaphore_mem>>, %arg16: memref<!tpu.dma_semaphore, #tpu.memory_space<semaphore_mem>>) attributes {dimension_semantics = [#tpu.dimension_semantics<core_parallel>, #tpu.dimension_semantics<subcore_parallel>], iteration_bounds = array<i64: 2, 16>, scalar_prefetch = 0 : i64, scratch_operands = 10 : i64, tpu.core_type = #tpu.core_type<sc_vector_subcore>, window_params = [{transform_indices = #map}, {transform_indices = #map}, {transform_indices = #map}, {transform_indices = #map}, {transform_indices = #map1}]} {
    %mul3A = arith.constant 4 : i32
    %mul3A_0 = arith.muli %arg1, %mul3A : i32
    "tpu.region"() ({
      %run_scoped3A = tpu.sem_alloc : memref<!tpu.dma_semaphore, #tpu.memory_space<semaphore_mem>>
      %dma_start3A_46 = arith.constant 0 : i32
      %dma_start3A_47 = tpu.memref_slice %arg2[%mul3A_0, %dma_start3A_46] : memref<64x10000xf32, #tpu.memory_space<hbm>> -> memref<4x10000xf32, #tpu.memory_space<hbm>>
      %dma_start3A_48 = arith.constant 0 : i32
      %dma_start3A_49 = tpu.memref_slice %arg2[%mul3A_0, %dma_start3A_48] : memref<64x10000xf32, #tpu.memory_space<hbm>> -> memref<4x10000xf32, #tpu.memory_space<hbm>>
      tpu.enqueue_dma source(%dma_start3A_49 : memref<4x10000xf32, #tpu.memory_space<hbm>>) target(%arg7 : memref<4x10000xf32, #tpu.memory_space<vmem>>) target_semaphore(%run_scoped3A : memref<!tpu.dma_semaphore, #tpu.memory_space<semaphore_mem>>)
      %dma_wait3A_50 = arith.constant 0 : i32
      %dma_wait3A_51 = tpu.memref_slice %arg2[%mul3A_0, %dma_wait3A_50] : memref<64x10000xf32, #tpu.memory_space<hbm>> -> memref<4x10000xf32, #tpu.memory_space<hbm>>
      %dma_wait3A_52 = arith.constant 0 : i32
      %dma_wait3A_53 = tpu.memref_slice %arg2[%mul3A_0, %dma_wait3A_52] : memref<64x10000xf32, #tpu.memory_space<hbm>> -> memref<4x10000xf32, #tpu.memory_space<hbm>>
      tpu.wait_dma2 semaphore(%run_scoped3A : memref<!tpu.dma_semaphore, #tpu.memory_space<semaphore_mem>>) src(%dma_wait3A_53 : memref<4x10000xf32, #tpu.memory_space<hbm>>) dst(%arg7 : memref<4x10000xf32, #tpu.memory_space<vmem>>)
      tpu.yield
    }) : () -> ()
    %scan3A = arith.constant 0 : i32
    %scan3A_1 = arith.constant 625 : i32
    %scan3A_2 = arith.addi %scan3A, %scan3A_1 : i32
    %scan3A_3 = arith.constant 1 : i32
    scf.for %scan3A_46 = %scan3A to %scan3A_2 step %scan3A_3  : i32 {
      %mul3A_47 = arith.constant 1 : i32
      %mul3A_48 = arith.muli %scan3A_46, %mul3A_47 : i32
      %add3A = arith.constant 0 : i32
      %add3A_49 = arith.addi %add3A, %mul3A_48 : i32
      %broadcast_in_dim3A = arith.constant 0.000000e+00 : f32
      %broadcast_in_dim3A_50 = vector.broadcast %broadcast_in_dim3A : f32 to vector<16xf32>
      %mul3A_51 = arith.constant 16 : i32
      %mul3A_52 = arith.muli %add3A_49, %mul3A_51 : i32
      %swap3A = arith.constant 0 : i32
      %swap3A_53 = arith.index_cast %swap3A : i32 to index
      %swap3A_54 = arith.index_cast %mul3A_52 : i32 to index
      %swap3A_55 = tpu.vector_load %arg8[%swap3A_53, %swap3A_54] {strides = array<i32>} : memref<4x10000xf32, #tpu.memory_space<vmem>>, vector<16xf32>,
      tpu.vector_store %arg8[%swap3A_53, %swap3A_54], %broadcast_in_dim3A_50 {strides = array<i32>} : memref<4x10000xf32, #tpu.memory_space<vmem>>, vector<16xf32>,
      %broadcast_in_dim3A_56 = arith.constant 0.000000e+00 : f32
      %broadcast_in_dim3A_57 = vector.broadcast %broadcast_in_dim3A_56 : f32 to vector<16xf32>
      %mul3A_58 = arith.constant 16 : i32
      %mul3A_59 = arith.muli %add3A_49, %mul3A_58 : i32
      %swap3A_60 = arith.constant 1 : i32
      %swap3A_61 = arith.index_cast %swap3A_60 : i32 to index
      %swap3A_62 = arith.index_cast %mul3A_59 : i32 to index
      %swap3A_63 = tpu.vector_load %arg8[%swap3A_61, %swap3A_62] {strides = array<i32>} : memref<4x10000xf32, #tpu.memory_space<vmem>>, vector<16xf32>,
      tpu.vector_store %arg8[%swap3A_61, %swap3A_62], %broadcast_in_dim3A_57 {strides = array<i32>} : memref<4x10000xf32, #tpu.memory_space<vmem>>, vector<16xf32>,
      %broadcast_in_dim3A_64 = arith.constant 0.000000e+00 : f32
      %broadcast_in_dim3A_65 = vector.broadcast %broadcast_in_dim3A_64 : f32 to vector<16xf32>
      %mul3A_66 = arith.constant 16 : i32
      %mul3A_67 = arith.muli %add3A_49, %mul3A_66 : i32
      %swap3A_68 = arith.constant 2 : i32
      %swap3A_69 = arith.index_cast %swap3A_68 : i32 to index
      %swap3A_70 = arith.index_cast %mul3A_67 : i32 to index
      %swap3A_71 = tpu.vector_load %arg8[%swap3A_69, %swap3A_70] {strides = array<i32>} : memref<4x10000xf32, #tpu.memory_space<vmem>>, vector<16xf32>,
      tpu.vector_store %arg8[%swap3A_69, %swap3A_70], %broadcast_in_dim3A_65 {strides = array<i32>} : memref<4x10000xf32, #tpu.memory_space<vmem>>, vector<16xf32>,
      %broadcast_in_dim3A_72 = arith.constant 0.000000e+00 : f32
      %broadcast_in_dim3A_73 = vector.broadcast %broadcast_in_dim3A_72 : f32 to vector<16xf32>
      %mul3A_74 = arith.constant 16 : i32
      %mul3A_75 = arith.muli %add3A_49, %mul3A_74 : i32
      %swap3A_76 = arith.constant 3 : i32
      %swap3A_77 = arith.index_cast %swap3A_76 : i32 to index
      %swap3A_78 = arith.index_cast %mul3A_75 : i32 to index
      %swap3A_79 = tpu.vector_load %arg8[%swap3A_77, %swap3A_78] {strides = array<i32>} : memref<4x10000xf32, #tpu.memory_space<vmem>>, vector<16xf32>,
      tpu.vector_store %arg8[%swap3A_77, %swap3A_78], %broadcast_in_dim3A_73 {strides = array<i32>} : memref<4x10000xf32, #tpu.memory_space<vmem>>, vector<16xf32>,
    }
    %scan3A_4 = arith.constant 625 : i32
    %dma_start3A = arith.constant 0 : i32
    %dma_start3A_5 = tpu.memref_slice %arg3[%arg0, %dma_start3A] : memref<2x161792xi32, #tpu.memory_space<hbm>> -> memref<1x2048xi32, #tpu.memory_space<hbm>>
    %dma_start3A_6 = tpu.memref_squeeze %dma_start3A_5 : memref<1x2048xi32, #tpu.memory_space<hbm>> -> memref<2048xi32, #tpu.memory_space<hbm>>
    %dma_start3A_7 = arith.constant 0 : i32
    %dma_start3A_8 = tpu.memref_slice %arg3[%arg0, %dma_start3A_7] : memref<2x161792xi32, #tpu.memory_space<hbm>> -> memref<1x2048xi32, #tpu.memory_space<hbm>>
    %dma_start3A_9 = tpu.memref_squeeze %dma_start3A_8 : memref<1x2048xi32, #tpu.memory_space<hbm>> -> memref<2048xi32, #tpu.memory_space<hbm>>
    tpu.enqueue_dma source(%dma_start3A_9 : memref<2048xi32, #tpu.memory_space<hbm>>) target(%arg9 : memref<2048xi32, #tpu.memory_space<vmem>>) target_semaphore(%arg15 : memref<!tpu.dma_semaphore, #tpu.memory_space<semaphore_mem>>)
    %dma_start3A_10 = arith.constant 0 : i32
    %dma_start3A_11 = tpu.memref_slice %arg4[%arg0, %dma_start3A_10] : memref<2x161792xi32, #tpu.memory_space<hbm>> -> memref<1x2048xi32, #tpu.memory_space<hbm>>
    %dma_start3A_12 = tpu.memref_squeeze %dma_start3A_11 : memref<1x2048xi32, #tpu.memory_space<hbm>> -> memref<2048xi32, #tpu.memory_space<hbm>>
    %dma_start3A_13 = arith.constant 0 : i32
    %dma_start3A_14 = tpu.memref_slice %arg4[%arg0, %dma_start3A_13] : memref<2x161792xi32, #tpu.memory_space<hbm>> -> memref<1x2048xi32, #tpu.memory_space<hbm>>
    %dma_start3A_15 = tpu.memref_squeeze %dma_start3A_14 : memref<1x2048xi32, #tpu.memory_space<hbm>> -> memref<2048xi32, #tpu.memory_space<hbm>>
    tpu.enqueue_dma source(%dma_start3A_15 : memref<2048xi32, #tpu.memory_space<hbm>>) target(%arg11 : memref<2048xi32, #tpu.memory_space<vmem>>) target_semaphore(%arg15 : memref<!tpu.dma_semaphore, #tpu.memory_space<semaphore_mem>>)
    %dma_start3A_16 = arith.constant 0 : i32
    %dma_start3A_17 = tpu.memref_slice %arg5[%arg0, %dma_start3A_16] : memref<2x161792xf32, #tpu.memory_space<hbm>> -> memref<1x2048xf32, #tpu.memory_space<hbm>>
    %dma_start3A_18 = tpu.memref_squeeze %dma_start3A_17 : memref<1x2048xf32, #tpu.memory_space<hbm>> -> memref<2048xf32, #tpu.memory_space<hbm>>
    %dma_start3A_19 = arith.constant 0 : i32
    %dma_start3A_20 = tpu.memref_slice %arg5[%arg0, %dma_start3A_19] : memref<2x161792xf32, #tpu.memory_space<hbm>> -> memref<1x2048xf32, #tpu.memory_space<hbm>>
    %dma_start3A_21 = tpu.memref_squeeze %dma_start3A_20 : memref<1x2048xf32, #tpu.memory_space<hbm>> -> memref<2048xf32, #tpu.memory_space<hbm>>
    tpu.enqueue_dma source(%dma_start3A_21 : memref<2048xf32, #tpu.memory_space<hbm>>) target(%arg13 : memref<2048xf32, #tpu.memory_space<vmem>>) target_semaphore(%arg15 : memref<!tpu.dma_semaphore, #tpu.memory_space<semaphore_mem>>)
    %scan3A_22 = arith.constant 0 : i32
    %scan3A_23 = arith.constant 39 : i32
    %scan3A_24 = arith.addi %scan3A_22, %scan3A_23 : i32
    %scan3A_25 = arith.constant 1 : i32
    scf.for %scan3A_46 = %scan3A_22 to %scan3A_24 step %scan3A_25  : i32 {
      %mul3A_47 = arith.constant 2 : i32
      %mul3A_48 = arith.muli %scan3A_46, %mul3A_47 : i32
      %add3A = arith.constant 0 : i32
      %add3A_49 = arith.addi %add3A, %mul3A_48 : i32
      %mul3A_50 = arith.constant 2048 : i32
      %mul3A_51 = arith.muli %add3A_49, %mul3A_50 : i32
      %dma_wait3A_52 = tpu.memref_slice %arg3[%arg0, %mul3A_51] : memref<2x161792xi32, #tpu.memory_space<hbm>> -> memref<1x2048xi32, #tpu.memory_space<hbm>>
      %dma_wait3A_53 = tpu.memref_squeeze %dma_wait3A_52 : memref<1x2048xi32, #tpu.memory_space<hbm>> -> memref<2048xi32, #tpu.memory_space<hbm>>
      %dma_wait3A_54 = tpu.memref_slice %arg3[%arg0, %mul3A_51] : memref<2x161792xi32, #tpu.memory_space<hbm>> -> memref<1x2048xi32, #tpu.memory_space<hbm>>
      %dma_wait3A_55 = tpu.memref_squeeze %dma_wait3A_54 : memref<1x2048xi32, #tpu.memory_space<hbm>> -> memref<2048xi32, #tpu.memory_space<hbm>>
      tpu.wait_dma2 semaphore(%arg15 : memref<!tpu.dma_semaphore, #tpu.memory_space<semaphore_mem>>) src(%dma_wait3A_55 : memref<2048xi32, #tpu.memory_space<hbm>>) dst(%arg9 : memref<2048xi32, #tpu.memory_space<vmem>>)
      %dma_wait3A_56 = tpu.memref_slice %arg4[%arg0, %mul3A_51] : memref<2x161792xi32, #tpu.memory_space<hbm>> -> memref<1x2048xi32, #tpu.memory_space<hbm>>
      %dma_wait3A_57 = tpu.memref_squeeze %dma_wait3A_56 : memref<1x2048xi32, #tpu.memory_space<hbm>> -> memref<2048xi32, #tpu.memory_space<hbm>>
      %dma_wait3A_58 = tpu.memref_slice %arg4[%arg0, %mul3A_51] : memref<2x161792xi32, #tpu.memory_space<hbm>> -> memref<1x2048xi32, #tpu.memory_space<hbm>>
      %dma_wait3A_59 = tpu.memref_squeeze %dma_wait3A_58 : memref<1x2048xi32, #tpu.memory_space<hbm>> -> memref<2048xi32, #tpu.memory_space<hbm>>
      tpu.wait_dma2 semaphore(%arg15 : memref<!tpu.dma_semaphore, #tpu.memory_space<semaphore_mem>>) src(%dma_wait3A_59 : memref<2048xi32, #tpu.memory_space<hbm>>) dst(%arg11 : memref<2048xi32, #tpu.memory_space<vmem>>)
      %dma_wait3A_60 = tpu.memref_slice %arg5[%arg0, %mul3A_51] : memref<2x161792xf32, #tpu.memory_space<hbm>> -> memref<1x2048xf32, #tpu.memory_space<hbm>>
      %dma_wait3A_61 = tpu.memref_squeeze %dma_wait3A_60 : memref<1x2048xf32, #tpu.memory_space<hbm>> -> memref<2048xf32, #tpu.memory_space<hbm>>
      %dma_wait3A_62 = tpu.memref_slice %arg5[%arg0, %mul3A_51] : memref<2x161792xf32, #tpu.memory_space<hbm>> -> memref<1x2048xf32, #tpu.memory_space<hbm>>
      %dma_wait3A_63 = tpu.memref_squeeze %dma_wait3A_62 : memref<1x2048xf32, #tpu.memory_space<hbm>> -> memref<2048xf32, #tpu.memory_space<hbm>>
      tpu.wait_dma2 semaphore(%arg15 : memref<!tpu.dma_semaphore, #tpu.memory_space<semaphore_mem>>) src(%dma_wait3A_63 : memref<2048xf32, #tpu.memory_space<hbm>>) dst(%arg13 : memref<2048xf32, #tpu.memory_space<vmem>>)
      %add3A_64 = arith.constant 1 : i32
      %add3A_65 = arith.addi %add3A_49, %add3A_64 : i32
      %mul3A_66 = arith.constant 2048 : i32
      %mul3A_67 = arith.muli %add3A_65, %mul3A_66 : i32
      %dma_start3A_68 = tpu.memref_slice %arg3[%arg0, %mul3A_67] : memref<2x161792xi32, #tpu.memory_space<hbm>> -> memref<1x2048xi32, #tpu.memory_space<hbm>>
      %dma_start3A_69 = tpu.memref_squeeze %dma_start3A_68 : memref<1x2048xi32, #tpu.memory_space<hbm>> -> memref<2048xi32, #tpu.memory_space<hbm>>
      %dma_start3A_70 = tpu.memref_slice %arg3[%arg0, %mul3A_67] : memref<2x161792xi32, #tpu.memory_space<hbm>> -> memref<1x2048xi32, #tpu.memory_space<hbm>>
      %dma_start3A_71 = tpu.memref_squeeze %dma_start3A_70 : memref<1x2048xi32, #tpu.memory_space<hbm>> -> memref<2048xi32, #tpu.memory_space<hbm>>
      tpu.enqueue_dma source(%dma_start3A_71 : memref<2048xi32, #tpu.memory_space<hbm>>) target(%arg10 : memref<2048xi32, #tpu.memory_space<vmem>>) target_semaphore(%arg16 : memref<!tpu.dma_semaphore, #tpu.memory_space<semaphore_mem>>)
      %dma_start3A_72 = tpu.memref_slice %arg4[%arg0, %mul3A_67] : memref<2x161792xi32, #tpu.memory_space<hbm>> -> memref<1x2048xi32, #tpu.memory_space<hbm>>
      %dma_start3A_73 = tpu.memref_squeeze %dma_start3A_72 : memref<1x2048xi32, #tpu.memory_space<hbm>> -> memref<2048xi32, #tpu.memory_space<hbm>>
      %dma_start3A_74 = tpu.memref_slice %arg4[%arg0, %mul3A_67] : memref<2x161792xi32, #tpu.memory_space<hbm>> -> memref<1x2048xi32, #tpu.memory_space<hbm>>
      %dma_start3A_75 = tpu.memref_squeeze %dma_start3A_74 : memref<1x2048xi32, #tpu.memory_space<hbm>> -> memref<2048xi32, #tpu.memory_space<hbm>>
      tpu.enqueue_dma source(%dma_start3A_75 : memref<2048xi32, #tpu.memory_space<hbm>>) target(%arg12 : memref<2048xi32, #tpu.memory_space<vmem>>) target_semaphore(%arg16 : memref<!tpu.dma_semaphore, #tpu.memory_space<semaphore_mem>>)
      %dma_start3A_76 = tpu.memref_slice %arg5[%arg0, %mul3A_67] : memref<2x161792xf32, #tpu.memory_space<hbm>> -> memref<1x2048xf32, #tpu.memory_space<hbm>>
      %dma_start3A_77 = tpu.memref_squeeze %dma_start3A_76 : memref<1x2048xf32, #tpu.memory_space<hbm>> -> memref<2048xf32, #tpu.memory_space<hbm>>
      %dma_start3A_78 = tpu.memref_slice %arg5[%arg0, %mul3A_67] : memref<2x161792xf32, #tpu.memory_space<hbm>> -> memref<1x2048xf32, #tpu.memory_space<hbm>>
      %dma_start3A_79 = tpu.memref_squeeze %dma_start3A_78 : memref<1x2048xf32, #tpu.memory_space<hbm>> -> memref<2048xf32, #tpu.memory_space<hbm>>
      tpu.enqueue_dma source(%dma_start3A_79 : memref<2048xf32, #tpu.memory_space<hbm>>) target(%arg14 : memref<2048xf32, #tpu.memory_space<vmem>>) target_semaphore(%arg16 : memref<!tpu.dma_semaphore, #tpu.memory_space<semaphore_mem>>)
      %parallel_loop3A_80 = arith.constant 0 : i32
      %parallel_loop3A_81 = arith.constant 128 : i32
      %parallel_loop3A_82 = arith.constant 1 : i32
      scf.for %parallel_loop3A_106 = %parallel_loop3A_80 to %parallel_loop3A_81 step %parallel_loop3A_82  : i32 {
        %parallel_loop3A_107 = arith.constant 16 : i32
        %parallel_loop3A_108 = arith.muli %parallel_loop3A_106, %parallel_loop3A_107 : i32
        %parallel_loop3A_109 = arith.index_cast %parallel_loop3A_108 : i32 to index
        %parallel_loop3A_110 = tpu.vector_load %arg9[%parallel_loop3A_109] {strides = array<i32>} : memref<2048xi32, #tpu.memory_space<vmem>>, vector<16xi32>,
        %parallel_loop3A_111 = arith.index_cast %parallel_loop3A_108 : i32 to index
        %parallel_loop3A_112 = tpu.vector_load %arg11[%parallel_loop3A_111] {strides = array<i32>} : memref<2048xi32, #tpu.memory_space<vmem>>, vector<16xi32>,
        %parallel_loop3A_113 = arith.index_cast %parallel_loop3A_108 : i32 to index
        %parallel_loop3A_114 = tpu.vector_load %arg13[%parallel_loop3A_113] {strides = array<i32>} : memref<2048xf32, #tpu.memory_space<vmem>>, vector<16xf32>,
        %parallel_loop3A_115 = arith.constant 0 : i32
        %parallel_loop3A_116 = vector.broadcast %parallel_loop3A_115 : i32 to vector<16xi32>
        %parallel_loop3A_117 = tpu.vector_load_idx %arg7[%parallel_loop3A_116, %parallel_loop3A_110] : memref<4x10000xf32, #tpu.memory_space<vmem>>[vector<16xi32>, vector<16xi32>], vector<16xf32>,
        %parallel_loop3A_118 = arith.mulf %parallel_loop3A_117, %parallel_loop3A_114 : vector<16xf32>
        tpu.vector_store_idx %arg8[%parallel_loop3A_116, %parallel_loop3A_112], %parallel_loop3A_118 {add = true} : memref<4x10000xf32, #tpu.memory_space<vmem>>[vector<16xi32>, vector<16xi32>], vector<16xf32>,
        %parallel_loop3A_119 = arith.constant 1 : i32
        %parallel_loop3A_120 = vector.broadcast %parallel_loop3A_119 : i32 to vector<16xi32>
        %parallel_loop3A_121 = tpu.vector_load_idx %arg7[%parallel_loop3A_120, %parallel_loop3A_110] : memref<4x10000xf32, #tpu.memory_space<vmem>>[vector<16xi32>, vector<16xi32>], vector<16xf32>,
        %parallel_loop3A_122 = arith.mulf %parallel_loop3A_121, %parallel_loop3A_114 : vector<16xf32>
        tpu.vector_store_idx %arg8[%parallel_loop3A_120, %parallel_loop3A_112], %parallel_loop3A_122 {add = true} : memref<4x10000xf32, #tpu.memory_space<vmem>>[vector<16xi32>, vector<16xi32>], vector<16xf32>,
        %parallel_loop3A_123 = arith.constant 2 : i32
        %parallel_loop3A_124 = vector.broadcast %parallel_loop3A_123 : i32 to vector<16xi32>
        %parallel_loop3A_125 = tpu.vector_load_idx %arg7[%parallel_loop3A_124, %parallel_loop3A_110] : memref<4x10000xf32, #tpu.memory_space<vmem>>[vector<16xi32>, vector<16xi32>], vector<16xf32>,
        %parallel_loop3A_126 = arith.mulf %parallel_loop3A_125, %parallel_loop3A_114 : vector<16xf32>
        tpu.vector_store_idx %arg8[%parallel_loop3A_124, %parallel_loop3A_112], %parallel_loop3A_126 {add = true} : memref<4x10000xf32, #tpu.memory_space<vmem>>[vector<16xi32>, vector<16xi32>], vector<16xf32>,
        %parallel_loop3A_127 = arith.constant 3 : i32
        %parallel_loop3A_128 = vector.broadcast %parallel_loop3A_127 : i32 to vector<16xi32>
        %parallel_loop3A_129 = tpu.vector_load_idx %arg7[%parallel_loop3A_128, %parallel_loop3A_110] : memref<4x10000xf32, #tpu.memory_space<vmem>>[vector<16xi32>, vector<16xi32>], vector<16xf32>,
        %parallel_loop3A_130 = arith.mulf %parallel_loop3A_129, %parallel_loop3A_114 : vector<16xf32>
        tpu.vector_store_idx %arg8[%parallel_loop3A_128, %parallel_loop3A_112], %parallel_loop3A_130 {add = true} : memref<4x10000xf32, #tpu.memory_space<vmem>>[vector<16xi32>, vector<16xi32>], vector<16xf32>,
      } {sc.loop_unroll_factor = 8 : i64, sc.parallel_access}
      %add3A_83 = arith.constant 1 : i32
      %add3A_84 = arith.addi %add3A_49, %add3A_83 : i32
      %mul3A_85 = arith.constant 2048 : i32
      %mul3A_86 = arith.muli %add3A_84, %mul3A_85 : i32
      %dma_wait3A_87 = tpu.memref_slice %arg3[%arg0, %mul3A_86] : memref<2x161792xi32, #tpu.memory_space<hbm>> -> memref<1x2048xi32, #tpu.memory_space<hbm>>
      %dma_wait3A_88 = tpu.memref_squeeze %dma_wait3A_87 : memref<1x2048xi32, #tpu.memory_space<hbm>> -> memref<2048xi32, #tpu.memory_space<hbm>>
      %dma_wait3A_89 = tpu.memref_slice %arg3[%arg0, %mul3A_86] : memref<2x161792xi32, #tpu.memory_space<hbm>> -> memref<1x2048xi32, #tpu.memory_space<hbm>>
      %dma_wait3A_90 = tpu.memref_squeeze %dma_wait3A_89 : memref<1x2048xi32, #tpu.memory_space<hbm>> -> memref<2048xi32, #tpu.memory_space<hbm>>
      tpu.wait_dma2 semaphore(%arg16 : memref<!tpu.dma_semaphore, #tpu.memory_space<semaphore_mem>>) src(%dma_wait3A_90 : memref<2048xi32, #tpu.memory_space<hbm>>) dst(%arg10 : memref<2048xi32, #tpu.memory_space<vmem>>)
      %dma_wait3A_91 = tpu.memref_slice %arg4[%arg0, %mul3A_86] : memref<2x161792xi32, #tpu.memory_space<hbm>> -> memref<1x2048xi32, #tpu.memory_space<hbm>>
      %dma_wait3A_92 = tpu.memref_squeeze %dma_wait3A_91 : memref<1x2048xi32, #tpu.memory_space<hbm>> -> memref<2048xi32, #tpu.memory_space<hbm>>
      %dma_wait3A_93 = tpu.memref_slice %arg4[%arg0, %mul3A_86] : memref<2x161792xi32, #tpu.memory_space<hbm>> -> memref<1x2048xi32, #tpu.memory_space<hbm>>
      %dma_wait3A_94 = tpu.memref_squeeze %dma_wait3A_93 : memref<1x2048xi32, #tpu.memory_space<hbm>> -> memref<2048xi32, #tpu.memory_space<hbm>>
      tpu.wait_dma2 semaphore(%arg16 : memref<!tpu.dma_semaphore, #tpu.memory_space<semaphore_mem>>) src(%dma_wait3A_94 : memref<2048xi32, #tpu.memory_space<hbm>>) dst(%arg12 : memref<2048xi32, #tpu.memory_space<vmem>>)
      %dma_wait3A_95 = tpu.memref_slice %arg5[%arg0, %mul3A_86] : memref<2x161792xf32, #tpu.memory_space<hbm>> -> memref<1x2048xf32, #tpu.memory_space<hbm>>
      %dma_wait3A_96 = tpu.memref_squeeze %dma_wait3A_95 : memref<1x2048xf32, #tpu.memory_space<hbm>> -> memref<2048xf32, #tpu.memory_space<hbm>>
      %dma_wait3A_97 = tpu.memref_slice %arg5[%arg0, %mul3A_86] : memref<2x161792xf32, #tpu.memory_space<hbm>> -> memref<1x2048xf32, #tpu.memory_space<hbm>>
      %dma_wait3A_98 = tpu.memref_squeeze %dma_wait3A_97 : memref<1x2048xf32, #tpu.memory_space<hbm>> -> memref<2048xf32, #tpu.memory_space<hbm>>
      tpu.wait_dma2 semaphore(%arg16 : memref<!tpu.dma_semaphore, #tpu.memory_space<semaphore_mem>>) src(%dma_wait3A_98 : memref<2048xf32, #tpu.memory_space<hbm>>) dst(%arg14 : memref<2048xf32, #tpu.memory_space<vmem>>)
      %add3A_99 = arith.constant 2 : i32
      %add3A_100 = arith.addi %add3A_49, %add3A_99 : i32
      %lt3A = arith.constant 79 : i32
      %lt3A_101 = arith.cmpi slt, %add3A_100, %lt3A : i32
      %convert_element_type3A = arith.extui %lt3A_101 : i1 to i32
      %cond3A = arith.constant 0 : i32
      %cond3A_102 = arith.cmpi ne, %convert_element_type3A, %cond3A : i32
      scf.if %cond3A_102 {
        %add3A_106 = arith.constant 2 : i32
        %add3A_107 = arith.addi %add3A_49, %add3A_106 : i32
        %mul3A_108 = arith.constant 2048 : i32
        %mul3A_109 = arith.muli %add3A_107, %mul3A_108 : i32
        %dma_start3A_110 = tpu.memref_slice %arg3[%arg0, %mul3A_109] : memref<2x161792xi32, #tpu.memory_space<hbm>> -> memref<1x2048xi32, #tpu.memory_space<hbm>>
        %dma_start3A_111 = tpu.memref_squeeze %dma_start3A_110 : memref<1x2048xi32, #tpu.memory_space<hbm>> -> memref<2048xi32, #tpu.memory_space<hbm>>
        %dma_start3A_112 = tpu.memref_slice %arg3[%arg0, %mul3A_109] : memref<2x161792xi32, #tpu.memory_space<hbm>> -> memref<1x2048xi32, #tpu.memory_space<hbm>>
        %dma_start3A_113 = tpu.memref_squeeze %dma_start3A_112 : memref<1x2048xi32, #tpu.memory_space<hbm>> -> memref<2048xi32, #tpu.memory_space<hbm>>
        tpu.enqueue_dma source(%dma_start3A_113 : memref<2048xi32, #tpu.memory_space<hbm>>) target(%arg9 : memref<2048xi32, #tpu.memory_space<vmem>>) target_semaphore(%arg15 : memref<!tpu.dma_semaphore, #tpu.memory_space<semaphore_mem>>)
        %dma_start3A_114 = tpu.memref_slice %arg4[%arg0, %mul3A_109] : memref<2x161792xi32, #tpu.memory_space<hbm>> -> memref<1x2048xi32, #tpu.memory_space<hbm>>
        %dma_start3A_115 = tpu.memref_squeeze %dma_start3A_114 : memref<1x2048xi32, #tpu.memory_space<hbm>> -> memref<2048xi32, #tpu.memory_space<hbm>>
        %dma_start3A_116 = tpu.memref_slice %arg4[%arg0, %mul3A_109] : memref<2x161792xi32, #tpu.memory_space<hbm>> -> memref<1x2048xi32, #tpu.memory_space<hbm>>
        %dma_start3A_117 = tpu.memref_squeeze %dma_start3A_116 : memref<1x2048xi32, #tpu.memory_space<hbm>> -> memref<2048xi32, #tpu.memory_space<hbm>>
        tpu.enqueue_dma source(%dma_start3A_117 : memref<2048xi32, #tpu.memory_space<hbm>>) target(%arg11 : memref<2048xi32, #tpu.memory_space<vmem>>) target_semaphore(%arg15 : memref<!tpu.dma_semaphore, #tpu.memory_space<semaphore_mem>>)
        %dma_start3A_118 = tpu.memref_slice %arg5[%arg0, %mul3A_109] : memref<2x161792xf32, #tpu.memory_space<hbm>> -> memref<1x2048xf32, #tpu.memory_space<hbm>>
        %dma_start3A_119 = tpu.memref_squeeze %dma_start3A_118 : memref<1x2048xf32, #tpu.memory_space<hbm>> -> memref<2048xf32, #tpu.memory_space<hbm>>
        %dma_start3A_120 = tpu.memref_slice %arg5[%arg0, %mul3A_109] : memref<2x161792xf32, #tpu.memory_space<hbm>> -> memref<1x2048xf32, #tpu.memory_space<hbm>>
        %dma_start3A_121 = tpu.memref_squeeze %dma_start3A_120 : memref<1x2048xf32, #tpu.memory_space<hbm>> -> memref<2048xf32, #tpu.memory_space<hbm>>
        tpu.enqueue_dma source(%dma_start3A_121 : memref<2048xf32, #tpu.memory_space<hbm>>) target(%arg13 : memref<2048xf32, #tpu.memory_space<vmem>>) target_semaphore(%arg15 : memref<!tpu.dma_semaphore, #tpu.memory_space<semaphore_mem>>)
      } else {
      }
      %parallel_loop3A_103 = arith.constant 0 : i32
      %parallel_loop3A_104 = arith.constant 128 : i32
      %parallel_loop3A_105 = arith.constant 1 : i32
      scf.for %parallel_loop3A_106 = %parallel_loop3A_103 to %parallel_loop3A_104 step %parallel_loop3A_105  : i32 {
        %parallel_loop3A_107 = arith.constant 16 : i32
        %parallel_loop3A_108 = arith.muli %parallel_loop3A_106, %parallel_loop3A_107 : i32
        %parallel_loop3A_109 = arith.index_cast %parallel_loop3A_108 : i32 to index
        %parallel_loop3A_110 = tpu.vector_load %arg10[%parallel_loop3A_109] {strides = array<i32>} : memref<2048xi32, #tpu.memory_space<vmem>>, vector<16xi32>,
        %parallel_loop3A_111 = arith.index_cast %parallel_loop3A_108 : i32 to index
        %parallel_loop3A_112 = tpu.vector_load %arg12[%parallel_loop3A_111] {strides = array<i32>} : memref<2048xi32, #tpu.memory_space<vmem>>, vector<16xi32>,
        %parallel_loop3A_113 = arith.index_cast %parallel_loop3A_108 : i32 to index
        %parallel_loop3A_114 = tpu.vector_load %arg14[%parallel_loop3A_113] {strides = array<i32>} : memref<2048xf32, #tpu.memory_space<vmem>>, vector<16xf32>,
        %parallel_loop3A_115 = arith.constant 0 : i32
        %parallel_loop3A_116 = vector.broadcast %parallel_loop3A_115 : i32 to vector<16xi32>
        %parallel_loop3A_117 = tpu.vector_load_idx %arg7[%parallel_loop3A_116, %parallel_loop3A_110] : memref<4x10000xf32, #tpu.memory_space<vmem>>[vector<16xi32>, vector<16xi32>], vector<16xf32>,
        %parallel_loop3A_118 = arith.mulf %parallel_loop3A_117, %parallel_loop3A_114 : vector<16xf32>
        tpu.vector_store_idx %arg8[%parallel_loop3A_116, %parallel_loop3A_112], %parallel_loop3A_118 {add = true} : memref<4x10000xf32, #tpu.memory_space<vmem>>[vector<16xi32>, vector<16xi32>], vector<16xf32>,
        %parallel_loop3A_119 = arith.constant 1 : i32
        %parallel_loop3A_120 = vector.broadcast %parallel_loop3A_119 : i32 to vector<16xi32>
        %parallel_loop3A_121 = tpu.vector_load_idx %arg7[%parallel_loop3A_120, %parallel_loop3A_110] : memref<4x10000xf32, #tpu.memory_space<vmem>>[vector<16xi32>, vector<16xi32>], vector<16xf32>,
        %parallel_loop3A_122 = arith.mulf %parallel_loop3A_121, %parallel_loop3A_114 : vector<16xf32>
        tpu.vector_store_idx %arg8[%parallel_loop3A_120, %parallel_loop3A_112], %parallel_loop3A_122 {add = true} : memref<4x10000xf32, #tpu.memory_space<vmem>>[vector<16xi32>, vector<16xi32>], vector<16xf32>,
        %parallel_loop3A_123 = arith.constant 2 : i32
        %parallel_loop3A_124 = vector.broadcast %parallel_loop3A_123 : i32 to vector<16xi32>
        %parallel_loop3A_125 = tpu.vector_load_idx %arg7[%parallel_loop3A_124, %parallel_loop3A_110] : memref<4x10000xf32, #tpu.memory_space<vmem>>[vector<16xi32>, vector<16xi32>], vector<16xf32>,
        %parallel_loop3A_126 = arith.mulf %parallel_loop3A_125, %parallel_loop3A_114 : vector<16xf32>
        tpu.vector_store_idx %arg8[%parallel_loop3A_124, %parallel_loop3A_112], %parallel_loop3A_126 {add = true} : memref<4x10000xf32, #tpu.memory_space<vmem>>[vector<16xi32>, vector<16xi32>], vector<16xf32>,
        %parallel_loop3A_127 = arith.constant 3 : i32
        %parallel_loop3A_128 = vector.broadcast %parallel_loop3A_127 : i32 to vector<16xi32>
        %parallel_loop3A_129 = tpu.vector_load_idx %arg7[%parallel_loop3A_128, %parallel_loop3A_110] : memref<4x10000xf32, #tpu.memory_space<vmem>>[vector<16xi32>, vector<16xi32>], vector<16xf32>,
        %parallel_loop3A_130 = arith.mulf %parallel_loop3A_129, %parallel_loop3A_114 : vector<16xf32>
        tpu.vector_store_idx %arg8[%parallel_loop3A_128, %parallel_loop3A_112], %parallel_loop3A_130 {add = true} : memref<4x10000xf32, #tpu.memory_space<vmem>>[vector<16xi32>, vector<16xi32>], vector<16xf32>,
      } {sc.loop_unroll_factor = 8 : i64, sc.parallel_access}
    }
    %scan3A_26 = arith.constant 39 : i32
    %dma_wait3A = arith.constant 159744 : i32
    %dma_wait3A_27 = tpu.memref_slice %arg3[%arg0, %dma_wait3A] : memref<2x161792xi32, #tpu.memory_space<hbm>> -> memref<1x2048xi32, #tpu.memory_space<hbm>>
    %dma_wait3A_28 = tpu.memref_squeeze %dma_wait3A_27 : memref<1x2048xi32, #tpu.memory_space<hbm>> -> memref<2048xi32, #tpu.memory_space<hbm>>
    %dma_wait3A_29 = arith.constant 159744 : i32
    %dma_wait3A_30 = tpu.memref_slice %arg3[%arg0, %dma_wait3A_29] : memref<2x161792xi32, #tpu.memory_space<hbm>> -> memref<1x2048xi32, #tpu.memory_space<hbm>>
    %dma_wait3A_31 = tpu.memref_squeeze %dma_wait3A_30 : memref<1x2048xi32, #tpu.memory_space<hbm>> -> memref<2048xi32, #tpu.memory_space<hbm>>
    tpu.wait_dma2 semaphore(%arg15 : memref<!tpu.dma_semaphore, #tpu.memory_space<semaphore_mem>>) src(%dma_wait3A_31 : memref<2048xi32, #tpu.memory_space<hbm>>) dst(%arg9 : memref<2048xi32, #tpu.memory_space<vmem>>)
    %dma_wait3A_32 = arith.constant 159744 : i32
    %dma_wait3A_33 = tpu.memref_slice %arg4[%arg0, %dma_wait3A_32] : memref<2x161792xi32, #tpu.memory_space<hbm>> -> memref<1x2048xi32, #tpu.memory_space<hbm>>
    %dma_wait3A_34 = tpu.memref_squeeze %dma_wait3A_33 : memref<1x2048xi32, #tpu.memory_space<hbm>> -> memref<2048xi32, #tpu.memory_space<hbm>>
    %dma_wait3A_35 = arith.constant 159744 : i32
    %dma_wait3A_36 = tpu.memref_slice %arg4[%arg0, %dma_wait3A_35] : memref<2x161792xi32, #tpu.memory_space<hbm>> -> memref<1x2048xi32, #tpu.memory_space<hbm>>
    %dma_wait3A_37 = tpu.memref_squeeze %dma_wait3A_36 : memref<1x2048xi32, #tpu.memory_space<hbm>> -> memref<2048xi32, #tpu.memory_space<hbm>>
    tpu.wait_dma2 semaphore(%arg15 : memref<!tpu.dma_semaphore, #tpu.memory_space<semaphore_mem>>) src(%dma_wait3A_37 : memref<2048xi32, #tpu.memory_space<hbm>>) dst(%arg11 : memref<2048xi32, #tpu.memory_space<vmem>>)
    %dma_wait3A_38 = arith.constant 159744 : i32
    %dma_wait3A_39 = tpu.memref_slice %arg5[%arg0, %dma_wait3A_38] : memref<2x161792xf32, #tpu.memory_space<hbm>> -> memref<1x2048xf32, #tpu.memory_space<hbm>>
    %dma_wait3A_40 = tpu.memref_squeeze %dma_wait3A_39 : memref<1x2048xf32, #tpu.memory_space<hbm>> -> memref<2048xf32, #tpu.memory_space<hbm>>
    %dma_wait3A_41 = arith.constant 159744 : i32
    %dma_wait3A_42 = tpu.memref_slice %arg5[%arg0, %dma_wait3A_41] : memref<2x161792xf32, #tpu.memory_space<hbm>> -> memref<1x2048xf32, #tpu.memory_space<hbm>>
    %dma_wait3A_43 = tpu.memref_squeeze %dma_wait3A_42 : memref<1x2048xf32, #tpu.memory_space<hbm>> -> memref<2048xf32, #tpu.memory_space<hbm>>
    tpu.wait_dma2 semaphore(%arg15 : memref<!tpu.dma_semaphore, #tpu.memory_space<semaphore_mem>>) src(%dma_wait3A_43 : memref<2048xf32, #tpu.memory_space<hbm>>) dst(%arg13 : memref<2048xf32, #tpu.memory_space<vmem>>)
    %parallel_loop3A = arith.constant 0 : i32
    %parallel_loop3A_44 = arith.constant 128 : i32
    %parallel_loop3A_45 = arith.constant 1 : i32
    scf.for %parallel_loop3A_46 = %parallel_loop3A to %parallel_loop3A_44 step %parallel_loop3A_45  : i32 {
      %parallel_loop3A_47 = arith.constant 16 : i32
      %parallel_loop3A_48 = arith.muli %parallel_loop3A_46, %parallel_loop3A_47 : i32
      %parallel_loop3A_49 = arith.index_cast %parallel_loop3A_48 : i32 to index
      %parallel_loop3A_50 = tpu.vector_load %arg9[%parallel_loop3A_49] {strides = array<i32>} : memref<2048xi32, #tpu.memory_space<vmem>>, vector<16xi32>,
      %parallel_loop3A_51 = arith.index_cast %parallel_loop3A_48 : i32 to index
      %parallel_loop3A_52 = tpu.vector_load %arg11[%parallel_loop3A_51] {strides = array<i32>} : memref<2048xi32, #tpu.memory_space<vmem>>, vector<16xi32>,
      %parallel_loop3A_53 = arith.index_cast %parallel_loop3A_48 : i32 to index
      %parallel_loop3A_54 = tpu.vector_load %arg13[%parallel_loop3A_53] {strides = array<i32>} : memref<2048xf32, #tpu.memory_space<vmem>>, vector<16xf32>,
      %parallel_loop3A_55 = arith.constant 0 : i32
      %parallel_loop3A_56 = vector.broadcast %parallel_loop3A_55 : i32 to vector<16xi32>
      %parallel_loop3A_57 = tpu.vector_load_idx %arg7[%parallel_loop3A_56, %parallel_loop3A_50] : memref<4x10000xf32, #tpu.memory_space<vmem>>[vector<16xi32>, vector<16xi32>], vector<16xf32>,
      %parallel_loop3A_58 = arith.mulf %parallel_loop3A_57, %parallel_loop3A_54 : vector<16xf32>
      tpu.vector_store_idx %arg8[%parallel_loop3A_56, %parallel_loop3A_52], %parallel_loop3A_58 {add = true} : memref<4x10000xf32, #tpu.memory_space<vmem>>[vector<16xi32>, vector<16xi32>], vector<16xf32>,
      %parallel_loop3A_59 = arith.constant 1 : i32
      %parallel_loop3A_60 = vector.broadcast %parallel_loop3A_59 : i32 to vector<16xi32>
      %parallel_loop3A_61 = tpu.vector_load_idx %arg7[%parallel_loop3A_60, %parallel_loop3A_50] : memref<4x10000xf32, #tpu.memory_space<vmem>>[vector<16xi32>, vector<16xi32>], vector<16xf32>,
      %parallel_loop3A_62 = arith.mulf %parallel_loop3A_61, %parallel_loop3A_54 : vector<16xf32>
      tpu.vector_store_idx %arg8[%parallel_loop3A_60, %parallel_loop3A_52], %parallel_loop3A_62 {add = true} : memref<4x10000xf32, #tpu.memory_space<vmem>>[vector<16xi32>, vector<16xi32>], vector<16xf32>,
      %parallel_loop3A_63 = arith.constant 2 : i32
      %parallel_loop3A_64 = vector.broadcast %parallel_loop3A_63 : i32 to vector<16xi32>
      %parallel_loop3A_65 = tpu.vector_load_idx %arg7[%parallel_loop3A_64, %parallel_loop3A_50] : memref<4x10000xf32, #tpu.memory_space<vmem>>[vector<16xi32>, vector<16xi32>], vector<16xf32>,
      %parallel_loop3A_66 = arith.mulf %parallel_loop3A_65, %parallel_loop3A_54 : vector<16xf32>
      tpu.vector_store_idx %arg8[%parallel_loop3A_64, %parallel_loop3A_52], %parallel_loop3A_66 {add = true} : memref<4x10000xf32, #tpu.memory_space<vmem>>[vector<16xi32>, vector<16xi32>], vector<16xf32>,
      %parallel_loop3A_67 = arith.constant 3 : i32
      %parallel_loop3A_68 = vector.broadcast %parallel_loop3A_67 : i32 to vector<16xi32>
      %parallel_loop3A_69 = tpu.vector_load_idx %arg7[%parallel_loop3A_68, %parallel_loop3A_50] : memref<4x10000xf32, #tpu.memory_space<vmem>>[vector<16xi32>, vector<16xi32>], vector<16xf32>,
      %parallel_loop3A_70 = arith.mulf %parallel_loop3A_69, %parallel_loop3A_54 : vector<16xf32>
      tpu.vector_store_idx %arg8[%parallel_loop3A_68, %parallel_loop3A_52], %parallel_loop3A_70 {add = true} : memref<4x10000xf32, #tpu.memory_space<vmem>>[vector<16xi32>, vector<16xi32>], vector<16xf32>,
    } {sc.loop_unroll_factor = 8 : i64, sc.parallel_access}
    "tpu.region"() ({
      %run_scoped3A = tpu.sem_alloc : memref<!tpu.dma_semaphore, #tpu.memory_space<semaphore_mem>>
      %dma_start3A_46 = arith.constant 0 : i32
      %dma_start3A_47 = tpu.memref_slice %arg6[%arg0, %mul3A_0, %dma_start3A_46] : memref<2x64x10000xf32, #tpu.memory_space<hbm>> -> memref<1x4x10000xf32, #tpu.memory_space<hbm>>
      %dma_start3A_48 = tpu.memref_squeeze %dma_start3A_47 : memref<1x4x10000xf32, #tpu.memory_space<hbm>> -> memref<4x10000xf32, #tpu.memory_space<hbm>>
      %dma_start3A_49 = arith.constant 0 : i32
      %dma_start3A_50 = tpu.memref_slice %arg6[%arg0, %mul3A_0, %dma_start3A_49] : memref<2x64x10000xf32, #tpu.memory_space<hbm>> -> memref<1x4x10000xf32, #tpu.memory_space<hbm>>
      %dma_start3A_51 = tpu.memref_squeeze %dma_start3A_50 : memref<1x4x10000xf32, #tpu.memory_space<hbm>> -> memref<4x10000xf32, #tpu.memory_space<hbm>>
      tpu.enqueue_dma source(%arg8 : memref<4x10000xf32, #tpu.memory_space<vmem>>) target(%dma_start3A_51 : memref<4x10000xf32, #tpu.memory_space<hbm>>) target_semaphore(%run_scoped3A : memref<!tpu.dma_semaphore, #tpu.memory_space<semaphore_mem>>)
      %dma_wait3A_52 = arith.constant 0 : i32
      %dma_wait3A_53 = tpu.memref_slice %arg6[%arg0, %mul3A_0, %dma_wait3A_52] : memref<2x64x10000xf32, #tpu.memory_space<hbm>> -> memref<1x4x10000xf32, #tpu.memory_space<hbm>>
      %dma_wait3A_54 = tpu.memref_squeeze %dma_wait3A_53 : memref<1x4x10000xf32, #tpu.memory_space<hbm>> -> memref<4x10000xf32, #tpu.memory_space<hbm>>
      %dma_wait3A_55 = arith.constant 0 : i32
      %dma_wait3A_56 = tpu.memref_slice %arg6[%arg0, %mul3A_0, %dma_wait3A_55] : memref<2x64x10000xf32, #tpu.memory_space<hbm>> -> memref<1x4x10000xf32, #tpu.memory_space<hbm>>
      %dma_wait3A_57 = tpu.memref_squeeze %dma_wait3A_56 : memref<1x4x10000xf32, #tpu.memory_space<hbm>> -> memref<4x10000xf32, #tpu.memory_space<hbm>>
      tpu.wait_dma2 semaphore(%run_scoped3A : memref<!tpu.dma_semaphore, #tpu.memory_space<semaphore_mem>>) src(%arg8 : memref<4x10000xf32, #tpu.memory_space<vmem>>) dst(%dma_wait3A_57 : memref<4x10000xf32, #tpu.memory_space<hbm>>)
      tpu.yield
    }) : () -> ()
    return
  }
}

module attributes {stable_mosaic.version = 14 : i64} {
  func.func @_mlp_body(%arg0: memref<10000x128xf32, #tpu.memory_space<vmem>>, %arg1: memref<128x32xf32, #tpu.memory_space<vmem>>, %arg2: memref<1x32xf32, #tpu.memory_space<vmem>>, %arg3: memref<32x64xf32, #tpu.memory_space<vmem>>, %arg4: memref<1x64xf32, #tpu.memory_space<vmem>>, %arg5: memref<64x10000xf32, #tpu.memory_space<vmem>>) attributes {dimension_semantics = [], scalar_prefetch = 0 : i64, scratch_operands = 0 : i64, tpu.core_type = #tpu.core_type<tc>} {
    %get3A = arith.constant 0 : index
    %get3A_0 = arith.constant 0 : index
    %get3A_1 = vector.load %arg0[%get3A, %get3A_0] : memref<10000x128xf32, #tpu.memory_space<vmem>>, vector<10000x128xf32>
    %get3A_2 = arith.constant 0 : index
    %get3A_3 = arith.constant 0 : index
    %get3A_4 = vector.load %arg1[%get3A_2, %get3A_3] : memref<128x32xf32, #tpu.memory_space<vmem>>, vector<128x32xf32>
    %dot_general3A = arith.constant dense<0.000000e+00> : vector<10000x32xf32>
    %dot_general3A_5 = tpu.matmul %get3A_1, %get3A_4, %dot_general3A {dimension_numbers = #tpu.dot_dimension_numbers<[1], [0], [0], [1], [0, 0, 1, 1], [], []>, transpose_lhs_hint = false} : vector<10000x128xf32>, vector<128x32xf32>, vector<10000x32xf32> -> vector<10000x32xf32>
    %get3A_6 = arith.constant 0 : index
    %get3A_7 = arith.constant 0 : index
    %get3A_8 = vector.load %arg2[%get3A_6, %get3A_7] : memref<1x32xf32, #tpu.memory_space<vmem>>, vector<1x32xf32>
    %add3A = vector.broadcast %get3A_8 : vector<1x32xf32> to vector<10000x32xf32>
    %add3A_9 = arith.addf %dot_general3A_5, %add3A : vector<10000x32xf32>
    %max3A = arith.constant 0.000000e+00 : f32
    %max3A_10 = vector.broadcast %max3A : f32 to vector<10000x32xf32>
    %max3A_11 = arith.maximumf %add3A_9, %max3A_10 : vector<10000x32xf32>
    %get3A_12 = arith.constant 0 : index
    %get3A_13 = arith.constant 0 : index
    %get3A_14 = vector.load %arg3[%get3A_12, %get3A_13] : memref<32x64xf32, #tpu.memory_space<vmem>>, vector<32x64xf32>
    %dot_general3A_15 = arith.constant dense<0.000000e+00> : vector<10000x64xf32>
    %dot_general3A_16 = tpu.matmul %max3A_11, %get3A_14, %dot_general3A_15 {dimension_numbers = #tpu.dot_dimension_numbers<[1], [0], [0], [1], [0, 0, 1, 1], [], []>, transpose_lhs_hint = false} : vector<10000x32xf32>, vector<32x64xf32>, vector<10000x64xf32> -> vector<10000x64xf32>
    %get3A_17 = arith.constant 0 : index
    %get3A_18 = arith.constant 0 : index
    %get3A_19 = vector.load %arg4[%get3A_17, %get3A_18] : memref<1x64xf32, #tpu.memory_space<vmem>>, vector<1x64xf32>
    %add3A_20 = vector.broadcast %get3A_19 : vector<1x64xf32> to vector<10000x64xf32>
    %add3A_21 = arith.addf %dot_general3A_16, %add3A_20 : vector<10000x64xf32>
    %transpose3A = tpu.transpose %add3A_21, [1, 0] : vector<10000x64xf32> -> vector<64x10000xf32>
    %swap3A = arith.constant 0 : index
    %swap3A_22 = arith.constant 0 : index
    %swap3A_23 = vector.load %arg5[%swap3A, %swap3A_22] : memref<64x10000xf32, #tpu.memory_space<vmem>>, vector<64x10000xf32>
    tpu.vector_store %arg5[%swap3A, %swap3A_22], %transpose3A {strides = array<i32>} : memref<64x10000xf32, #tpu.memory_space<vmem>>, vector<64x10000xf32>,
    return
  }
}

module attributes {stable_mosaic.version = 14 : i64} {
  func.func @_t_body(%arg0: memref<2x64x10000xf32, #tpu.memory_space<vmem>>, %arg1: memref<10000x64xf32, #tpu.memory_space<vmem>>) attributes {dimension_semantics = [], scalar_prefetch = 0 : i64, scratch_operands = 0 : i64, tpu.core_type = #tpu.core_type<tc>} {
    %get3A = arith.constant 0 : index
    %get3A_0 = arith.constant 0 : index
    %get3A_1 = arith.constant 0 : index
    %get3A_2 = vector.load %arg0[%get3A, %get3A_0, %get3A_1] : memref<2x64x10000xf32, #tpu.memory_space<vmem>>, vector<1x64x10000xf32>
    %get3A_3 = vector.shape_cast %get3A_2 : vector<1x64x10000xf32> to vector<64x10000xf32>
    %get3A_4 = arith.constant 1 : index
    %get3A_5 = arith.constant 0 : index
    %get3A_6 = arith.constant 0 : index
    %get3A_7 = vector.load %arg0[%get3A_4, %get3A_5, %get3A_6] : memref<2x64x10000xf32, #tpu.memory_space<vmem>>, vector<1x64x10000xf32>
    %get3A_8 = vector.shape_cast %get3A_7 : vector<1x64x10000xf32> to vector<64x10000xf32>
    %add3A = arith.addf %get3A_3, %get3A_8 : vector<64x10000xf32>
    %transpose3A = tpu.transpose %add3A, [1, 0] : vector<64x10000xf32> -> vector<10000x64xf32>
    %swap3A = arith.constant 0 : index
    %swap3A_9 = arith.constant 0 : index
    %swap3A_10 = vector.load %arg1[%swap3A, %swap3A_9] : memref<10000x64xf32, #tpu.memory_space<vmem>>, vector<10000x64xf32>
    tpu.vector_store %arg1[%swap3A, %swap3A_9], %transpose3A {strides = array<i32>} : memref<10000x64xf32, #tpu.memory_space<vmem>>, vector<10000x64xf32>,
    return
  }
}

</mosaic_0001>

<sc_bundles>
// kernel: kernel.5.cloned.1.call-start
scs
__scs_entry_jumppad:
0x0: {  	(pc) =	sbr.rel $0x88, $3  }
0x1: {  	(tag) =	ssettag $0x0;
	lr =	simm.s32 $0x1  }
0x2: {  	[smem:$0x3F9A] =	sst lr;
	_ =	strace $0xD0000000  }
0x3: {  	_ = 	snop  }
0x4: {  	_ = 	snop  }
0x5: {  	_ = 	snop  }
0x6: {  	_ = 	snop  }
0x7: {  	_ = 	snop  }
__scs_overlays_trampoline_lowered:
0x8: {  	[smem:$0x3FA9] =	sst s0  }
0x9: {  	[smem:$0x3FAA] =	sst s1  }
0xa: {  	[smem:$0x3FAB] =	sst s2  }
0xb: {  	[smem:$0x3FAC] =	sst s3  }
0xc: {  	[smem:$0x3FAD] =	sst s4  }
0xd: {  	[smem:$0x3FAE] =	sst s5  }
0xe: {  	[smem:$0x3FAF] =	sst s6  }
0xf: {  	[smem:$0x3FB0] =	sst s7  }
0x10: {  	[smem:$0x3FB1] =	sst s8  }
0x11: {  	[smem:$0x3FB2] =	sst s9;
	s0 =	simm.s32 @!p0 $0x0  }
0x12: {  	s1 =	sld [smem:$0x3F98];
	s0 =	simm.s32 @p0 $0x1  }
0x13: {  	[smem:$0x3FB3] =	sst s0;
	s0 =	simm.s32 @!p1 $0x0  }
0x14: {  	s2 =	sld [smem:$0x3F97];
	s0 =	simm.s32 @p1 $0x1  }
0x15: {  	[smem:$0x3FB4] =	sst s0;
	s0 =	simm.s32 @!p2 $0x0  }
0x16: {  	s3 =	sld [smem:$0x3FDB];
	s0 =	simm.s32 @p2 $0x1  }
0x17: {  	s4 =	simm.s32 $0x1BF5;
	[smem:$0x3FB6] =	sst s0  }
0x18: {  	s0 =	sld [smem:$0x3F99];
	_ =	swait.ge [sflag:s4], $0x0  }
0x19: {  	s7 =	sld [smem:$0x3F9A]  }
0x1a: {  	s8 =	sadd.s32 $0xFFFFE003, lr  }
0x1b: {  	s9 =	sadd.s32 $0xFFFFFEF7, lr;
	s5 =	simm.s32 $0xFFFFFFFF;
	p2 =	slt.u32 s8, $0xFFFFF086  }
0x1c: {  	p1 =	slt.u32 s9, $0xF7A;
	s5 =	simm.s32 @!p2 $0x0  }
0x1d: {  	s5 =	simm.s32 @p1 $0x1;
	p0 =	seq.s32 s7, s2  }
0x1e: {  	s7 =	smul.u32 @!p0 $0xF7A, s2;
	p2 =	seq.s32 @!p0 s5, $0x0  }
0x1f: {  	s9 =	smul.u32 $0xF7A, s1;
	s8 =	simm.s32 @!p0 $0x1BF5;
	p2 =	por !p2, p0  }
0x20: {  	[sflag:s8] =	ssyncset.s32 @!p0 $0xFFFFF086;
	s6 =	sadd.s32 @!p0 s3, s7;
	s7 =	simm.s32 @!p0 $0x108  }
0x21: {  	s3 =	sadd.s32 s3, s9;
	s6 =	sadd.s32 @!p0 $0x88, s6;
	s7 =	simm.s32 @p2 $0x1082  }
0x22: {  	[simem:s7], [sflag:s8] =	dma.local @!p0 [hbm:s6], $0xF7A  }
0x23: {  	s9 =	sor.u32 $0xD0000000, s2;
	s6 =	simm.s32 $0x108;
	_ =	swait.ge @!p0 [sflag:s8], $0x0  }
0x24: {  	s3 =	sadd.s32 $0x88, s3;
	s6 =	simm.s32 @!p1 $0x1082;
	[sflag:s4] =	ssyncset.s32 $0xFFFFF086  }
0x25: {  	[simem:s6], [sflag:s4] =	dma.local [hbm:s3], $0xF7A  }
0x26: {  	[smem:$0x3F9A] =	sst s1;
	(tag) =	ssettag s2;
	_ =	strace s9  }
0x27: {  	s1 =	sld [smem:$0x3FAA]  }
0x28: {  	s2 =	sld [smem:$0x3FAB]  }
0x29: {  	s4 =	sld [smem:$0x3FAD]  }
0x2a: {  	p0 =	seq.s32 s5, $0x0;
	s5 =	sld [smem:$0x3FAE]  }
0x2b: {  	s6 =	sld [smem:$0x3FAF]  }
0x2c: {  	s7 =	sld [smem:$0x3FB0]  }
0x2d: {  	s3 =	simm.s32 $0x108;
	s8 =	sld [smem:$0x3FB1]  }
0x2e: {  	s3 =	simm.s32 @!p0 $0x1082;
	s9 =	sld [smem:$0x3FB2]  }
0x2f: {  	lr =	sadd.s32 s0, s3;
	s0 =	sld [smem:$0x3FA9]  }
0x30: {  	s3 =	sld [smem:$0x3FAC]  }
0x31: {  	[smem:$0x3FB5] =	sst s10  }
0x32: {  	s10 =	sld [smem:$0x3FB3];
	_ =	sdelay $0x3  }
0x33: {  	p0 =	seq.s32 s10, $0x1;
	s10 =	sld [smem:$0x3FB5];
	_ =	sdelay $0x3  }
0x34: {  	[smem:$0x3FB5] =	sst s10  }
0x35: {  	s10 =	sld [smem:$0x3FB4];
	_ =	sdelay $0x3  }
0x36: {  	p1 =	seq.s32 s10, $0x1;
	s10 =	sld [smem:$0x3FB5];
	_ =	sdelay $0x3  }
0x37: {  	[smem:$0x3FB5] =	sst s10  }
0x38: {  	s10 =	sld [smem:$0x3FB6]  }
0x39: {  	_ = 	snop;
	(pc) =	sbr.ind lr, $3  }
0x3a: {  	_ = 	snop  }
0x3b: {  	_ = 	snop  }
0x3c: {  	p2 =	seq.s32 s10, $0x1;
	s10 =	sld [smem:$0x3FB5]  }
0x3d: {  	_ =	shalt  }
0x3e: {  	_ =	shalt  }
0x3f: {  	_ =	shalt  }
0x40: {  	_ =	shalt  }
0x41: {  	_ =	shalt  }
0x42: {  	_ =	shalt  }
0x43: {  	_ =	shalt  }
0x44: {  	_ =	shalt  }
0x45: {  	_ =	shalt  }
0x46: {  	_ =	shalt  }
0x47: {  	_ =	shalt  }
0x48: {  	_ =	shalt  }
0x49: {  	_ =	shalt  }
0x4a: {  	_ =	shalt  }
0x4b: {  	_ =	shalt  }
0x4c: {  	_ =	shalt  }
0x4d: {  	_ =	shalt  }
0x4e: {  	_ =	shalt  }
0x4f: {  	_ =	shalt  }
0x50: {  	_ =	shalt  }
0x51: {  	_ =	shalt  }
0x52: {  	_ =	shalt  }
0x53: {  	_ =	shalt  }
0x54: {  	_ =	shalt  }
0x55: {  	_ =	shalt  }
0x56: {  	_ =	shalt  }
0x57: {  	_ =	shalt  }
0x58: {  	_ =	shalt  }
0x59: {  	_ =	shalt  }
0x5a: {  	_ =	shalt  }
0x5b: {  	_ =	shalt  }
0x5c: {  	_ =	shalt  }
0x5d: {  	_ =	shalt  }
0x5e: {  	_ =	shalt  }
0x5f: {  	_ =	shalt  }
0x60: {  	_ =	shalt  }
0x61: {  	_ =	shalt  }
0x62: {  	_ =	shalt  }
0x63: {  	_ =	shalt  }
0x64: {  	_ =	shalt  }
0x65: {  	_ =	shalt  }
0x66: {  	_ =	shalt  }
0x67: {  	_ =	shalt  }
0x68: {  	_ =	shalt  }
0x69: {  	_ =	shalt  }
0x6a: {  	_ =	shalt  }
0x6b: {  	_ =	shalt  }
0x6c: {  	_ =	shalt  }
0x6d: {  	_ =	shalt  }
0x6e: {  	_ =	shalt  }
0x6f: {  	_ =	shalt  }
0x70: {  	_ =	shalt  }
0x71: {  	_ =	shalt  }
0x72: {  	_ =	shalt  }
0x73: {  	_ =	shalt  }
0x74: {  	_ =	shalt  }
0x75: {  	_ =	shalt  }
0x76: {  	_ =	shalt  }
0x77: {  	_ =	shalt  }
0x78: {  	_ =	shalt  }
0x79: {  	_ =	shalt  }
0x7a: {  	_ =	shalt  }
0x7b: {  	_ =	shalt  }
0x7c: {  	_ =	shalt  }
0x7d: {  	_ =	shalt  }
0x7e: {  	_ =	shalt  }
0x7f: {  	_ =	shalt  }
0x80: {  	_ =	shalt  }
0x81: {  	_ =	shalt  }
0x82: {  	_ =	shalt  }
0x83: {  	_ =	shalt  }
0x84: {  	_ =	shalt  }
0x85: {  	_ =	shalt  }
0x86: {  	_ =	shalt  }
0x87: {  	_ =	shalt  }
.Lfunc_end0:
.L_simem_size_0:
called_computation_lowered:
.L_overlay_start_0:
0x88: {  	s2 =	sld [smem:$0x3FD9]  }
0x89: {  	s3 =	sld [smem:$0x3FFE];
	_ =	sdelay $0x1  }
0x8a: {  	s1 =	srdreg.scid  }
0x8b: {  	s0 =	sand.u32 $0x1, s1  }
0x8c: {  	s17 =	sshll.u32 s0, $0xA;
	s2 =	sadd.s32 s3, s2  }
0x8d: {  	s2 =	sadd.s32 s2, s17  }
0x8e: {  	[smem:$0x3FC1] =	sst s2  }
0x8f: {  	_ = 	snop  }
0x90: {  	s2 =	sld [smem:$0x3FD0];
	(tm) =	ssettm $0x1  }
0x91: {  	s18 =	sld [smem:$0x3FFB];
	_ =	sdelay $0x3  }
0x92: {  	_ =	strace s18  }
0x93: {  	s3 =	sld [smem:$0x3FFC];
	_ =	sdelay $0x3  }
0x94: {  	_ =	strace s3  }
0x95: {  	s3 =	sld [smem:$0x3FFD];
	_ =	sdelay $0x3  }
0x96: {  	_ =	strace s3  }
0x97: {  	_ =	strace $0x8FFFFFFF  }
0x98: {  	s19 =	sld [smem:$0x3FDB];
	_ =	sdelay $0x1  }
0x99: {  	s4 =	simm.s32 $_scs_section_size  }
0x9a: {  	s5 =	simm.s32 $_size__tile_overlayer_lowered;
	s6 =	simm.s32 $_tile_overlayer_lowered  }
0x9b: {  	s22 =	simm.s32 $0x1BFF;
	s21 =	sshll.u32 s6, $0x1;
	s3 =	sadd.s32 s4, s19  }
0x9c: {  	s7 =	simm.s32 $0x0;
	s20 =	sshll.u32 s5, $0x1;
	s5 =	sadd.s32 s21, s3  }
0x9d: {  	[timem:s7], [sflag:s22] =	dma.local [hbm:s5], s20  }
0x9e: {  	_ =	swait.ge [sflag:s22], s20  }
0x9f: {  	s4 =	ssub.s32 $0x0, s20;
	[sflag:s22] =	ssyncset.done $0x0  }
0xa0: {  	[sflag:s22] =	ssyncadd.s32 s4;
	_ =	sdelay $0x1  }
0xa1: {  	s23 =	simm.s32 $0x1B8B  }
0xa2: {  	_ =	swait.ge [sflag:s23], $0x1  }
0xa3: {  	[sflag:s23] =	ssyncset.done $0x0  }
0xa4: {  	s25 =	simm.s32 $0x1B8E;
	s24 =	sld [smem:$0x3FFE];
	[sflag:s23] =	ssyncadd.s32 $0xFFFFFFFF  }
0xa5: {  	s26 =	simm.s32 $execute0_lowered;
	[smem:$0x3FD2] =	sst s25  }
0xa6: {  	s5 =	sshll.u32 s26, $0x1;
	_ =	strace $0x80000046;
	[dreg:$0x1] =	wrdreg $0xFFFFFFFF  }
0xa7: {  	s28 =	simm.s32 $_size_execute0_lowered;
	s3 =	sadd.s32 s3, s5;
	[dreg:$0x0] =	wrdreg $0x0  }
0xa8: {  	s5 =	sshll.u32 s28, $0x1;
	[dreg:$0x2] =	wrdreg s3  }
0xa9: {  	[dreg:$0x3] =	wrdreg s5  }
0xaa: {  	[dreg:$0x4] =	wrdreg $0xC0  }
0xab: {  	_ =	task [dreg:s7], $0x5FFFF  }
0xac: {  	[dreg:$0x1] =	wrdreg $0xFFFFFFFF  }
0xad: {  	[dreg:$0x0] =	wrdreg $0x60  }
0xae: {  	[dreg:$0x2] =	wrdreg s2  }
0xaf: {  	[dreg:$0x3] =	wrdreg s24  }
0xb0: {  	[dreg:$0x4] =	wrdreg $0x9  }
0xb1: {  	_ =	task.clear_ibuf [dreg:s7], $0x5FFFF;
	_ =	strace $0x90000046  }
0xb2: {  	s29 =	simm.s32 $0x9;
	_ =	strace $0x80000048  }
0xb3: {  	_ =	swait.ge [sflag:s29], $0x1  }
0xb4: {  	[sflag:s29] =	ssyncadd.s32 $0xFFFFFFFF  }
0xb5: {  	_ =	strace $0x90000048  }
0xb6: {  	_ =	sfence  }
0xb7: {  	s30 =	sld [smem:$0x0];
	_ =	sdelay $0x2  }
0xb8: {  	s31 =	sshll.u32 s1, $0xD;
	s1 =	sshrl.u32 s1, $0x2  }
0xb9: {  	s3 =	sand.u32 $0x4000, s31;
	s1 =	sadd.s32 s1, s30  }
0xba: {  	s0 =	sor.u32 s3, s0;
	s1 =	sshll.u32 s1, $0x11  }
0xbb: {  	s0 =	sor.u32 s1, s0  }
0xbc: {  	s0 =	sadd.s32 $0x8F2B, s0  }
0xbd: {  	[sflag:s0] =	ssyncadd.remote.s32 $0x1  }
0xbe: {  	_ =	sfence.sel $0xFFFF  }
0xbf: {  	[dreg:$0x0] =	wrdreg $0xFFFFFFFF;
	(pc) =	sbr.abs _section_cstart, $3  }
0xc0: {  	[dreg:$0x1] =	wrdreg $0xFFFFFFFF  }
0xc1: {  	_ =	task.clear_ibuf [dreg:s7], $0x2FFFF;
	_ =	strace $0x9FFFFFFF  }
0xc2: {  	(tm) =	ssettm $0x7FFFFFFF  }
0xc3: {  	_ =	shalt  }
tec
execute0_lowered:
.L_overlay_start_1:
0x0: {  	(tag) =	ssettag $0x1  }
0x1: {  	s6 =	rddreg [dreg:$0x0]  }
0x2: {  	s7 =	rddreg [dreg:$0x1]  }
0x3: {  	s0 =	rddreg [dreg:$0x2]  }
0x4: {  	s3 =	srdreg.scid;
	s1 =	stileid.u32;
	s2 =	simm.s32 $0x0  }
0x5: {  	s15 =	simm.s32 $0x13880;
	s16 =	simm.s32 $0x14880;
	s17 =	simm.s32 $0x15880  }
0x6: {  	s18 =	simm.s32 $0x1;
	s19 =	simm.s32 $0x14080;
	s20 =	simm.s32 $0x15080  }
0x7: {  	s21 =	simm.s32 $0x16080;
	s22 =	simm.s32 $0x9C40;
	s23 =	simm.s32 $0x2  }
0x8: {  	s24 =	simm.s32 $0x0;
	s8 =	sand.u32 $0x1, s3;
	s9 =	smul.u32 $0x9C40, s1  }
0x9: {  	[smem:$0x7FF] =	sst s2;
	s3 =	sadd.s32 $0xA600, s7;
	s4 =	sadd.s32 $0x800, s7  }
0xa: {  	s5 =	sadd.s32 $0x14400, s7;
	s10 =	smul.u32 $0x9C400, s8;
	s11 =	ssub.s32 $0x2, s8  }
0xb: {  	_ =	strace $0x80000047;
	s12 =	smul.u32 $0x27800, s8;
	s29 =	sshrl.u32 s11, $0x1  }
0xc: {  	s30 =	sshrl.u32 s9, $0x3;
	s10 =	sadd.s32 s9, s10;
	s14 =	ssub.s32 s11, s29  }
0xd: {  	s6 =	sadd.s32 s6, s30;
	s31 =	sshrl.u32 s12, $0x3;
	s11 =	sadd.s32 $0x1000, s12  }
0xe: {  	s10 =	sshrl.u32 s10, $0x3;
	s8 =	sadd.s32 s4, s31;
	s9 =	sadd.s32 s5, s31  }
0xf: {  	s13 =	sadd.s32 s10, s7;
	s7 =	sadd.s32 s3, s31;
	s10 =	sadd.s32 $0x800, s12  }
0x10: {  	v0 =	vimm.f32 $0.0e+00;
	s12 =	sadd.s32 $0x1E200, s13;
	s13 =	smax.u32 s14, $0x1;
	s14 =	simm.s32 $0x3  }
.LBB2_1:
0x11: {  	[tilespmem:s2], [sflag:$0x3] =	stream.linear.gather [hbm4b:s6+s2], $0x9C40, $0x38;
	[tilespmem:$0x16880] =	vst v63  }
0x12: {  	_ =	swait.ge [sflag:s14], $0x9C40  }
0x13: {  	[sflag:s14] =	ssyncset.done $0x0  }
0x14: {  	s26 =	simm.s32 $0x40;
	s25 =	simm.s32 $0x0;
	[sflag:s14] =	ssyncadd.s32 $0xFFFF63C0  }
.LBB2_2:
0x15: {  	p0 =	sne.s32 s26, $0x9C00;
	[tilespmem:s25+$0x11170] =	vst v0;
	s28 =	smov.u32 s26;
	s26 =	sadd.s32 $0x40, s26  }
.Ltmp0:
0x16: {  	[tilespmem:s25+$0xEA60] =	vst v0;
	(pc) =	sbr.rel @p0 .LBB2_2-.Ltmp0, $3  }
0x17: {  	[tilespmem:s25+$0x9C40] =	vst v0  }
0x18: {  	[tilespmem:s25+$0xC350] =	vst v0;
	_ =	sdelay $0x1  }
0x19: {  	s25 =	sshra.s32 s28, $0x2  }
0x1a: {  	[tilespmem:s25+$0x11170] =	vst v0  }
0x1b: {  	[tilespmem:s25+$0xEA60] =	vst v0  }
0x1c: {  	[tilespmem:s25+$0x9C40] =	vst v0  }
0x1d: {  	[tilespmem:s25+$0xC350] =	vst v0;
	s25 =	simm.s32 $0x0  }
0x1e: {  	[tilespmem:s15], [sflag:$0x1] =	stream.linear.gather [hbm4b:s7+s25], $0x800, $0x38;
	[tilespmem:$0x16880] =	vst v63  }
0x1f: {  	_ = 	snop  }
0x20: {  	[tilespmem:s16], [sflag:$0x1] =	stream.linear.gather [hbm4b:s8+s25], $0x800, $0x38;
	[tilespmem:$0x16880] =	vst v63  }
0x21: {  	_ = 	snop  }
0x22: {  	[tilespmem:s17], [sflag:$0x1] =	stream.linear.gather [hbm4b:s9+s25], $0x800, $0x38;
	[tilespmem:$0x16880] =	vst v63  }
.LBB2_4:
0x23: {  	_ =	swait.ge [sflag:s18], $0x800  }
0x24: {  	[sflag:s18] =	ssyncset.done $0x0  }
0x25: {  	[sflag:s18] =	ssyncadd.s32 $0xFFFFF800  }
0x26: {  	_ =	swait.ge [sflag:s18], $0x800  }
0x27: {  	[sflag:s18] =	ssyncset.done $0x0  }
0x28: {  	s26 =	sshll.u32 s25, $0xC;
	[sflag:s18] =	ssyncadd.s32 $0xFFFFF800  }
0x29: {  	s28 =	sadd.s32 s26, s10;
	_ =	swait.ge [sflag:s18], $0x800  }
0x2a: {  	s28 =	sshrl.u32 s28, $0x3;
	[sflag:s18] =	ssyncset.done $0x0  }
0x2b: {  	s29 =	sadd.s32 s3, s28;
	[sflag:s18] =	ssyncadd.s32 $0xFFFFF800  }
0x2c: {  	[tilespmem:s19], [sflag:$0x2] =	stream.linear.gather [hbm4b:s29+s2], $0x800, $0x38;
	[tilespmem:$0x16880] =	vst v63  }
0x2d: {  	s29 =	sadd.s32 s4, s28  }
0x2e: {  	[tilespmem:s20], [sflag:$0x2] =	stream.linear.gather [hbm4b:s29+s2], $0x800, $0x38;
	[tilespmem:$0x16880] =	vst v63  }
0x2f: {  	s30 =	simm.s32 $0x138C0;
	s28 =	sadd.s32 s5, s28  }
0x30: {  	[tilespmem:s21], [sflag:$0x2] =	stream.linear.gather [hbm4b:s28+s2], $0x800, $0x38;
	[tilespmem:$0x16880] =	vst v63  }
0x31: {  	v11 =	vld [tilespmem:s30+$0x30]  }
0x32: {  	v9 =	vld [tilespmem:s30+$0xFFFFFFD0]  }
0x33: {  	v8 =	vld [tilespmem:s30+$0xFFFFFFE0]  }
0x34: {  	v5 =	vld [tilespmem:s30+$0xFFFFFFF0]  }
0x35: {  	v4 =	vld [tilespmem:s30+$0x0]  }
0x36: {  	v2 =	vld [tilespmem:s30+$0x10]  }
0x37: {  	s28 =	simm.s32 $0x148C0;
	v3 =	vld [tilespmem:s30+$0x20]  }
0x38: {  	s29 =	simm.s32 $0x158C0;
	v12 =	vld [tilespmem:s28+$0x30]  }
0x39: {  	v13 =	vld [tilespmem:s29+$0x30]  }
0x3a: {  	v14 =	vld [tilespmem:s30+$0xFFFFFFC0]  }
0x3b: {  	v22 =	vld [tilespmem:s29+$0xFFFFFFC0]  }
0x3c: {  	v23 =	vld [tilespmem:s29+$0xFFFFFFD0]  }
0x3d: {  	v25 =	vld [tilespmem:s29+$0xFFFFFFE0]  }
0x3e: {  	v10 =	vld [tilespmem:s29+$0xFFFFFFF0]  }
0x3f: {  	v1 =	vld.idx.msk [tilespmem:v11+s2+$0x0], $0xffff  }
0x40: {  	v26 =	vld [tilespmem:s28+$0xFFFFFFC0]  }
0x41: {  	v28 =	vld [tilespmem:s28+$0xFFFFFFD0]  }
0x42: {  	v29 =	vld [tilespmem:s28+$0xFFFFFFE0];
	v6 =	vadd.s32 $0x2710, v11  }
0x43: {  	v30 =	vld [tilespmem:s28+$0xFFFFFFF0]  }
0x44: {  	v31 =	vld [tilespmem:s28+$0x0];
	v1 =	vmul.f32 v1, v13  }
0x45: {  	v40 =	vld [tilespmem:s28+$0x10]  }
0x46: {  	[tilespmem:v12+s22+$0x0] =	vst.idx.add.f32.msk $0xffff, v1  }
0x47: {  	v1 =	vld.idx.msk [tilespmem:v6+s2+$0x0], $0xffff  }
0x48: {  	v41 =	vld [tilespmem:s28+$0x20]  }
0x49: {  	v7 =	vadd.s32 $0x2710, v12;
	v15 =	vld.idx.msk [tilespmem:v9+s2+$0x0], $0xffff  }
0x4a: {  	v24 =	vadd.s32 $0x4E20, v11;
	v16 =	vld.idx.msk [tilespmem:v8+s2+$0x0], $0xffff  }
0x4b: {  	v20 =	vld.idx.msk [tilespmem:v14+s2+$0x0], $0xffff  }
0x4c: {  	v18 =	vld.idx.msk [tilespmem:v4+s2+$0x0], $0xffff;
	v1 =	vmul.f32 v1, v13  }
0x4d: {  	v6 =	vld [tilespmem:s29+$0x0]  }
0x4e: {  	[tilespmem:v7+s22+$0x0] =	vst.idx.add.f32.msk $0xffff, v1  }
0x4f: {  	v24 =	vld.idx.msk [tilespmem:v24+s2+$0x0], $0xffff  }
0x50: {  	v17 =	vld.idx.msk [tilespmem:v5+s2+$0x0], $0xffff;
	v20 =	vmul.f32 v20, v22  }
0x51: {  	v27 =	vadd.s32 $0x4E20, v12;
	v19 =	vld.idx.msk [tilespmem:v2+s2+$0x0], $0xffff;
	v15 =	vmul.f32 v15, v23  }
0x52: {  	v11 =	vadd.s32 $0x7530, v11;
	v16 =	vmul.f32 v16, v25;
	[tilespmem:v26+s22+$0x0] =	vst.idx.add.f32.msk $0xffff, v20  }
0x53: {  	v42 =	vadd.s32 $0x2710, v14;
	[tilespmem:v28+s22+$0x0] =	vst.idx.add.f32.msk $0xffff, v15;
	v15 =	vmul.f32 v18, v6  }
0x54: {  	[tilespmem:v29+s22+$0x0] =	vst.idx.add.f32.msk $0xffff, v16;
	v24 =	vmul.f32 v24, v13  }
0x55: {  	[tilespmem:v31+s22+$0x0] =	vst.idx.add.f32.msk $0xffff, v15  }
0x56: {  	v15 =	vadd.s32 $0x2710, v8;
	[tilespmem:v27+s22+$0x0] =	vst.idx.add.f32.msk $0xffff, v24  }
0x57: {  	v11 =	vld.idx.msk [tilespmem:v11+s2+$0x0], $0xffff  }
0x58: {  	v16 =	vld.idx.msk [tilespmem:v42+s2+$0x0], $0xffff  }
0x59: {  	v12 =	vadd.s32 $0x7530, v12;
	v7 =	vld [tilespmem:s29+$0x10]  }
0x5a: {  	v47 =	vadd.s32 $0x2710, v26;
	v21 =	vld.idx.msk [tilespmem:v3+s2+$0x0], $0xffff;
	v17 =	vmul.f32 v17, v10  }
0x5b: {  	v15 =	vld.idx.msk [tilespmem:v15+s2+$0x0], $0xffff  }
0x5c: {  	[tilespmem:v30+s22+$0x0] =	vst.idx.add.f32.msk $0xffff, v17;
	v11 =	vmul.f32 v11, v13;
	v13 =	vadd.s32 $0x2710, v9  }
0x5d: {  	v49 =	vadd.s32 $0x2710, v29;
	v16 =	vmul.f32 v16, v22;
	v1 =	vld [tilespmem:s29+$0x20]  }
0x5e: {  	v43 =	vmul.f32 v19, v7;
	[tilespmem:v12+s22+$0x0] =	vst.idx.add.f32.msk $0xffff, v11;
	v11 =	vadd.s32 $0x2710, v5  }
0x5f: {  	[tilespmem:v47+s22+$0x0] =	vst.idx.add.f32.msk $0xffff, v16;
	v12 =	vadd.s32 $0x2710, v4  }
0x60: {  	[tilespmem:v40+s22+$0x0] =	vst.idx.add.f32.msk $0xffff, v43;
	v15 =	vmul.f32 v15, v25  }
0x61: {  	v45 =	vadd.s32 $0x2710, v2;
	v13 =	vld.idx.msk [tilespmem:v13+s2+$0x0], $0xffff  }
0x62: {  	v46 =	vadd.s32 $0x2710, v3;
	[tilespmem:v49+s22+$0x0] =	vst.idx.add.f32.msk $0xffff, v15  }
0x63: {  	v48 =	vadd.s32 $0x2710, v28;
	v44 =	vmul.f32 v21, v1;
	v11 =	vld.idx.msk [tilespmem:v11+s2+$0x0], $0xffff  }
0x64: {  	v15 =	vadd.s32 $0x4E20, v9;
	v12 =	vld.idx.msk [tilespmem:v12+s2+$0x0], $0xffff  }
0x65: {  	v32 =	vadd.s32 $0x2710, v30;
	[tilespmem:v41+s22+$0x0] =	vst.idx.add.f32.msk $0xffff, v44  }
0x66: {  	v33 =	vadd.s32 $0x2710, v31;
	v17 =	vld.idx.msk [tilespmem:v45+s2+$0x0], $0xffff;
	v13 =	vmul.f32 v13, v23  }
0x67: {  	v51 =	vadd.s32 $0x4E20, v8;
	v18 =	vld.idx.msk [tilespmem:v46+s2+$0x0], $0xffff  }
0x68: {  	v52 =	vadd.s32 $0x4E20, v5;
	[tilespmem:v48+s22+$0x0] =	vst.idx.add.f32.msk $0xffff, v13;
	v11 =	vmul.f32 v11, v10  }
0x69: {  	v34 =	vadd.s32 $0x2710, v40;
	v12 =	vmul.f32 v12, v6;
	v15 =	vld.idx.msk [tilespmem:v15+s2+$0x0], $0xffff  }
0x6a: {  	v50 =	vadd.s32 $0x2710, v41;
	[tilespmem:v32+s22+$0x0] =	vst.idx.add.f32.msk $0xffff, v11  }
0x6b: {  	v13 =	vadd.s32 $0x4E20, v14;
	[tilespmem:v33+s22+$0x0] =	vst.idx.add.f32.msk $0xffff, v12  }
0x6c: {  	v53 =	vadd.s32 $0x4E20, v3;
	v11 =	vmul.f32 v17, v7;
	v17 =	vld.idx.msk [tilespmem:v51+s2+$0x0], $0xffff  }
0x6d: {  	v55 =	vadd.s32 $0x4E20, v28;
	v12 =	vmul.f32 v18, v1;
	v18 =	vld.idx.msk [tilespmem:v52+s2+$0x0], $0xffff  }
0x6e: {  	[tilespmem:v34+s22+$0x0] =	vst.idx.add.f32.msk $0xffff, v11;
	v11 =	vadd.s32 $0x4E20, v4  }
0x6f: {  	[tilespmem:v50+s22+$0x0] =	vst.idx.add.f32.msk $0xffff, v12;
	v12 =	vadd.s32 $0x4E20, v2  }
0x70: {  	v9 =	vadd.s32 $0x7530, v9;
	v13 =	vld.idx.msk [tilespmem:v13+s2+$0x0], $0xffff;
	v15 =	vmul.f32 v15, v23  }
0x71: {  	v57 =	vadd.s32 $0x4E20, v30;
	v16 =	vld.idx.msk [tilespmem:v53+s2+$0x0], $0xffff  }
0x72: {  	v54 =	vadd.s32 $0x4E20, v26;
	[tilespmem:v55+s22+$0x0] =	vst.idx.add.f32.msk $0xffff, v15  }
0x73: {  	v5 =	vadd.s32 $0x7530, v5;
	v11 =	vld.idx.msk [tilespmem:v11+s2+$0x0], $0xffff  }
0x74: {  	v56 =	vadd.s32 $0x4E20, v29;
	v15 =	vmul.f32 v18, v10;
	v12 =	vld.idx.msk [tilespmem:v12+s2+$0x0], $0xffff  }
0x75: {  	v8 =	vadd.s32 $0x7530, v8;
	v9 =	vld.idx.msk [tilespmem:v9+s2+$0x0], $0xffff;
	v13 =	vmul.f32 v13, v22  }
0x76: {  	v58 =	vadd.s32 $0x4E20, v31;
	[tilespmem:v57+s22+$0x0] =	vst.idx.add.f32.msk $0xffff, v15  }
0x77: {  	v59 =	vadd.s32 $0x4E20, v40;
	[tilespmem:v54+s22+$0x0] =	vst.idx.add.f32.msk $0xffff, v13;
	v13 =	vmul.f32 v17, v25  }
0x78: {  	v60 =	vadd.s32 $0x4E20, v41;
	v5 =	vld.idx.msk [tilespmem:v5+s2+$0x0], $0xffff  }
0x79: {  	v14 =	vadd.s32 $0x7530, v14;
	[tilespmem:v56+s22+$0x0] =	vst.idx.add.f32.msk $0xffff, v13;
	v11 =	vmul.f32 v11, v6  }
0x7a: {  	v4 =	vadd.s32 $0x7530, v4;
	v12 =	vmul.f32 v12, v7;
	v13 =	vld.idx.msk [tilespmem:v8+s2+$0x0], $0xffff  }
0x7b: {  	v2 =	vadd.s32 $0x7530, v2;
	[tilespmem:v58+s22+$0x0] =	vst.idx.add.f32.msk $0xffff, v11;
	v11 =	vmul.f32 v16, v1  }
0x7c: {  	v3 =	vadd.s32 $0x7530, v3;
	[tilespmem:v59+s22+$0x0] =	vst.idx.add.f32.msk $0xffff, v12  }
0x7d: {  	v62 =	vadd.s32 $0x7530, v30;
	[tilespmem:v60+s22+$0x0] =	vst.idx.add.f32.msk $0xffff, v11  }
0x7e: {  	v15 =	vadd.s32 $0x7530, v29;
	v11 =	vld.idx.msk [tilespmem:v14+s2+$0x0], $0xffff  }
0x7f: {  	v61 =	vld.idx.msk [tilespmem:v4+s2+$0x0], $0xffff;
	v14 =	vadd.s32 $0x7530, v28  }
0x80: {  	v12 =	vadd.s32 $0x7530, v26;
	v5 =	vmul.f32 v5, v10;
	v63 =	vld.idx.msk [tilespmem:v2+s2+$0x0], $0xffff  }
0x81: {  	v8 =	vld.idx.msk [tilespmem:v3+s2+$0x0], $0xffff;
	v4 =	vmul.f32 v13, v25  }
0x82: {  	[tilespmem:v62+s22+$0x0] =	vst.idx.add.f32.msk $0xffff, v5;
	v3 =	vmul.f32 v9, v23  }
0x83: {  	[tilespmem:v15+s22+$0x0] =	vst.idx.add.f32.msk $0xffff, v4;
	v2 =	vmul.f32 v11, v22  }
0x84: {  	v4 =	vadd.s32 $0x7530, v41;
	v13 =	vmul.f32 v61, v6;
	[tilespmem:v14+s22+$0x0] =	vst.idx.add.f32.msk $0xffff, v3  }
0x85: {  	s31 =	simm.s32 $0x13940;
	s30 =	simm.s32 $0x0;
	v6 =	vmul.f32 v63, v7;
	v3 =	vadd.s32 $0x7530, v40;
	[tilespmem:v12+s22+$0x0] =	vst.idx.add.f32.msk $0xffff, v2;
	v2 =	vadd.s32 $0x7530, v31  }
.LBB2_5:
0x86: {  	v28 =	vld [tilespmem:s31+$0x30];
	s30 =	sadd.s32 $0x8, s30;
	v5 =	vmul.f32 v8, v1  }
0x87: {  	v1 =	vld [tilespmem:s31+$0xFFFFFFD0];
	p0 =	slt.u32 s30, $0x78  }
0x88: {  	v15 =	vld [tilespmem:s31+$0xFFFFFFE0]  }
0x89: {  	v16 =	vld [tilespmem:s31+$0xFFFFFFF0]  }
0x8a: {  	v17 =	vld [tilespmem:s31+$0x0]  }
0x8b: {  	v18 =	vld [tilespmem:s31+$0x10]  }
0x8c: {  	s28 =	sadd.s32 $0x80, s28;
	v27 =	vadd.s32 $0x2710, v1;
	v14 =	vadd.s32 $0x4E20, v1;
	v7 =	vadd.s32 $0x7530, v1;
	v19 =	vld [tilespmem:s31+$0x20]  }
0x8d: {  	v29 =	vadd.s32 $0x2710, v15;
	v20 =	vadd.s32 $0x4E20, v15;
	v8 =	vadd.s32 $0x7530, v15;
	v36 =	vld [tilespmem:s28+$0x30]  }
0x8e: {  	s29 =	sadd.s32 $0x80, s29;
	v33 =	vadd.s32 $0x2710, v16;
	v22 =	vadd.s32 $0x4E20, v16;
	v9 =	vadd.s32 $0x7530, v16;
	v21 =	vld.idx.msk [tilespmem:v28+s2+$0x0], $0xffff  }
0x8f: {  	v35 =	vadd.s32 $0x2710, v17;
	v24 =	vadd.s32 $0x4E20, v17;
	v10 =	vadd.s32 $0x7530, v17;
	v37 =	vld [tilespmem:s29+$0x30]  }
0x90: {  	v23 =	vld [tilespmem:s31+$0xFFFFFFC0];
	v38 =	vadd.s32 $0x2710, v18;
	v25 =	vadd.s32 $0x4E20, v18;
	v11 =	vadd.s32 $0x7530, v18  }
0x91: {  	v1 =	vld.idx.msk [tilespmem:v1+s2+$0x0], $0xffff;
	v39 =	vadd.s32 $0x2710, v19;
	v26 =	vadd.s32 $0x4E20, v19;
	v12 =	vadd.s32 $0x7530, v19  }
0x92: {  	v31 =	vld.idx.msk [tilespmem:v15+s2+$0x0], $0xffff;
	v15 =	vadd.s32 $0x2710, v28  }
0x93: {  	v32 =	vld.idx.msk [tilespmem:v16+s2+$0x0], $0xffff  }
0x94: {  	v34 =	vld.idx.msk [tilespmem:v17+s2+$0x0], $0xffff;
	v16 =	vmul.f32 v21, v37  }
0x95: {  	v40 =	vadd.s32 $0x2710, v23;
	v30 =	vadd.s32 $0x4E20, v23;
	v21 =	vadd.s32 $0x7530, v23;
	v41 =	vld.idx.msk [tilespmem:v18+s2+$0x0], $0xffff  }
0x96: {  	[tilespmem:v36+s22+$0x0] =	vst.idx.add.f32.msk $0xffff, v16  }
0x97: {  	v16 =	vld.idx.msk [tilespmem:v15+s2+$0x0], $0xffff  }
0x98: {  	v23 =	vld.idx.msk [tilespmem:v23+s2+$0x0], $0xffff  }
0x99: {  	v42 =	vld.idx.msk [tilespmem:v19+s2+$0x0], $0xffff  }
0x9a: {  	v43 =	vadd.s32 $0x2710, v36;
	v18 =	vld [tilespmem:s29+$0xFFFFFFC0]  }
0x9b: {  	v44 =	vadd.s32 $0x4E20, v28;
	v19 =	vld [tilespmem:s29+$0xFFFFFFD0]  }
0x9c: {  	v17 =	vld [tilespmem:s29+$0xFFFFFFE0]  }
0x9d: {  	v45 =	vmul.f32 v16, v37;
	v15 =	vld [tilespmem:s29+$0xFFFFFFF0]  }
0x9e: {  	v16 =	vld [tilespmem:s29+$0x0]  }
0x9f: {  	v46 =	vmul.f32 v23, v18;
	[tilespmem:v43+s22+$0x0] =	vst.idx.add.f32.msk $0xffff, v45  }
0xa0: {  	v43 =	vmul.f32 v1, v19;
	v44 =	vld.idx.msk [tilespmem:v44+s2+$0x0], $0xffff  }
0xa1: {  	v45 =	vmul.f32 v31, v17;
	v23 =	vld [tilespmem:s29+$0x10]  }
0xa2: {  	v47 =	vmul.f32 v32, v15;
	v1 =	vld [tilespmem:s29+$0x20]  }
0xa3: {  	v31 =	vadd.s32 $0x4E20, v36;
	v48 =	vld [tilespmem:s28+$0xFFFFFFC0];
	v49 =	vmul.f32 v34, v16  }
0xa4: {  	v32 =	vadd.s32 $0x7530, v28;
	v50 =	vld [tilespmem:s28+$0xFFFFFFD0]  }
0xa5: {  	v51 =	vld [tilespmem:s28+$0xFFFFFFE0]  }
0xa6: {  	v34 =	vmul.f32 v44, v37;
	v52 =	vld [tilespmem:s28+$0xFFFFFFF0];
	v41 =	vmul.f32 v41, v23  }
0xa7: {  	v44 =	vld [tilespmem:s28+$0x0];
	v42 =	vmul.f32 v42, v1  }
0xa8: {  	v53 =	vadd.s32 $0x2710, v48;
	v54 =	vadd.s32 $0x4E20, v48;
	v28 =	vadd.s32 $0x7530, v48;
	[tilespmem:v31+s22+$0x0] =	vst.idx.add.f32.msk $0xffff, v34  }
0xa9: {  	v55 =	vadd.s32 $0x2710, v50;
	v56 =	vadd.s32 $0x4E20, v50;
	v31 =	vadd.s32 $0x7530, v50;
	v57 =	vld.idx.msk [tilespmem:v32+s2+$0x0], $0xffff  }
0xaa: {  	v58 =	vadd.s32 $0x2710, v51;
	v59 =	vadd.s32 $0x4E20, v51;
	v32 =	vadd.s32 $0x7530, v51;
	v60 =	vld [tilespmem:s28+$0x10]  }
0xab: {  	v61 =	vadd.s32 $0x2710, v52;
	v62 =	vadd.s32 $0x4E20, v52;
	v34 =	vadd.s32 $0x7530, v52;
	v63 =	vld [tilespmem:s28+$0x20]  }
0xac: {  	v36 =	vadd.s32 $0x7530, v36;
	[tilespmem:v48+s22+$0x0] =	vst.idx.add.f32.msk $0xffff, v46;
	v46 =	vadd.s32 $0x2710, v44;
	v48 =	vadd.s32 $0x4E20, v44  }
0xad: {  	[tilespmem:v50+s22+$0x0] =	vst.idx.add.f32.msk $0xffff, v43;
	v43 =	vadd.s32 $0x7530, v44  }
0xae: {  	[tilespmem:v51+s22+$0x0] =	vst.idx.add.f32.msk $0xffff, v45  }
0xaf: {  	v37 =	vmul.f32 v57, v37;
	[tilespmem:v52+s22+$0x0] =	vst.idx.add.f32.msk $0xffff, v47;
	v45 =	vadd.s32 $0x2710, v60;
	v47 =	vadd.s32 $0x4E20, v60  }
0xb0: {  	[tilespmem:v44+s22+$0x0] =	vst.idx.add.f32.msk $0xffff, v49;
	v44 =	vadd.s32 $0x7530, v60;
	v49 =	vadd.s32 $0x2710, v63;
	v50 =	vadd.s32 $0x4E20, v63  }
0xb1: {  	v51 =	vadd.s32 $0x7530, v63;
	[tilespmem:v36+s22+$0x0] =	vst.idx.add.f32.msk $0xffff, v37  }
0xb2: {  	[tilespmem:v60+s22+$0x0] =	vst.idx.add.f32.msk $0xffff, v41  }
0xb3: {  	[tilespmem:v63+s22+$0x0] =	vst.idx.add.f32.msk $0xffff, v42  }
0xb4: {  	v36 =	vld.idx.msk [tilespmem:v40+s2+$0x0], $0xffff  }
0xb5: {  	v27 =	vld.idx.msk [tilespmem:v27+s2+$0x0], $0xffff  }
0xb6: {  	v29 =	vld.idx.msk [tilespmem:v29+s2+$0x0], $0xffff  }
0xb7: {  	v33 =	vld.idx.msk [tilespmem:v33+s2+$0x0], $0xffff  }
0xb8: {  	v35 =	vld.idx.msk [tilespmem:v35+s2+$0x0], $0xffff  }
0xb9: {  	v37 =	vld.idx.msk [tilespmem:v38+s2+$0x0], $0xffff  }
0xba: {  	v36 =	vmul.f32 v36, v18;
	v38 =	vld.idx.msk [tilespmem:v39+s2+$0x0], $0xffff  }
0xbb: {  	v27 =	vmul.f32 v27, v19;
	[tilespmem:v2+s22+$0x0] =	vst.idx.add.f32.msk $0xffff, v13;
	v2 =	vmov v43  }
0xbc: {  	v13 =	vmul.f32 v29, v17;
	[tilespmem:v53+s22+$0x0] =	vst.idx.add.f32.msk $0xffff, v36  }
0xbd: {  	[tilespmem:v55+s22+$0x0] =	vst.idx.add.f32.msk $0xffff, v27;
	v27 =	vmul.f32 v33, v15  }
0xbe: {  	[tilespmem:v58+s22+$0x0] =	vst.idx.add.f32.msk $0xffff, v13;
	v13 =	vmul.f32 v35, v16  }
0xbf: {  	[tilespmem:v61+s22+$0x0] =	vst.idx.add.f32.msk $0xffff, v27;
	v27 =	vmul.f32 v37, v23  }
0xc0: {  	[tilespmem:v46+s22+$0x0] =	vst.idx.add.f32.msk $0xffff, v13;
	v13 =	vmul.f32 v38, v1  }
0xc1: {  	[tilespmem:v45+s22+$0x0] =	vst.idx.add.f32.msk $0xffff, v27  }
0xc2: {  	[tilespmem:v49+s22+$0x0] =	vst.idx.add.f32.msk $0xffff, v13  }
0xc3: {  	v13 =	vld.idx.msk [tilespmem:v30+s2+$0x0], $0xffff  }
0xc4: {  	v14 =	vld.idx.msk [tilespmem:v14+s2+$0x0], $0xffff  }
0xc5: {  	v20 =	vld.idx.msk [tilespmem:v20+s2+$0x0], $0xffff  }
0xc6: {  	v22 =	vld.idx.msk [tilespmem:v22+s2+$0x0], $0xffff  }
0xc7: {  	v24 =	vld.idx.msk [tilespmem:v24+s2+$0x0], $0xffff  }
0xc8: {  	v25 =	vld.idx.msk [tilespmem:v25+s2+$0x0], $0xffff  }
0xc9: {  	v13 =	vmul.f32 v13, v18;
	v26 =	vld.idx.msk [tilespmem:v26+s2+$0x0], $0xffff  }
0xca: {  	v14 =	vmul.f32 v14, v19;
	[tilespmem:v3+s22+$0x0] =	vst.idx.add.f32.msk $0xffff, v6;
	v3 =	vmov v44  }
0xcb: {  	v6 =	vmul.f32 v20, v17;
	[tilespmem:v54+s22+$0x0] =	vst.idx.add.f32.msk $0xffff, v13  }
0xcc: {  	v13 =	vmul.f32 v22, v15;
	[tilespmem:v56+s22+$0x0] =	vst.idx.add.f32.msk $0xffff, v14  }
0xcd: {  	[tilespmem:v59+s22+$0x0] =	vst.idx.add.f32.msk $0xffff, v6;
	v6 =	vmul.f32 v24, v16  }
0xce: {  	[tilespmem:v62+s22+$0x0] =	vst.idx.add.f32.msk $0xffff, v13;
	v13 =	vmul.f32 v25, v23  }
0xcf: {  	[tilespmem:v48+s22+$0x0] =	vst.idx.add.f32.msk $0xffff, v6;
	v6 =	vmul.f32 v26, v1  }
0xd0: {  	[tilespmem:v47+s22+$0x0] =	vst.idx.add.f32.msk $0xffff, v13  }
0xd1: {  	[tilespmem:v50+s22+$0x0] =	vst.idx.add.f32.msk $0xffff, v6  }
0xd2: {  	v6 =	vld.idx.msk [tilespmem:v21+s2+$0x0], $0xffff  }
0xd3: {  	v7 =	vld.idx.msk [tilespmem:v7+s2+$0x0], $0xffff  }
0xd4: {  	v13 =	vld.idx.msk [tilespmem:v8+s2+$0x0], $0xffff  }
0xd5: {  	v9 =	vld.idx.msk [tilespmem:v9+s2+$0x0], $0xffff  }
0xd6: {  	v10 =	vld.idx.msk [tilespmem:v10+s2+$0x0], $0xffff  }
0xd7: {  	v11 =	vld.idx.msk [tilespmem:v11+s2+$0x0], $0xffff  }
0xd8: {  	v6 =	vmul.f32 v6, v18;
	v8 =	vld.idx.msk [tilespmem:v12+s2+$0x0], $0xffff  }
.Ltmp1:
0xd9: {  	v7 =	vmul.f32 v7, v19;
	[tilespmem:v4+s22+$0x0] =	vst.idx.add.f32.msk $0xffff, v5;
	v4 =	vmov v51;
	(pc) =	sbr.rel @p0 .LBB2_5-.Ltmp1, $4  }
0xda: {  	v5 =	vmul.f32 v13, v17;
	[tilespmem:v28+s22+$0x0] =	vst.idx.add.f32.msk $0xffff, v6  }
0xdb: {  	v6 =	vmul.f32 v9, v15;
	[tilespmem:v31+s22+$0x0] =	vst.idx.add.f32.msk $0xffff, v7  }
0xdc: {  	v13 =	vmul.f32 v10, v16;
	[tilespmem:v32+s22+$0x0] =	vst.idx.add.f32.msk $0xffff, v5  }
0xdd: {  	s31 =	sadd.s32 $0x80, s31;
	[tilespmem:v34+s22+$0x0] =	vst.idx.add.f32.msk $0xffff, v6;
	v6 =	vmul.f32 v11, v23  }
0xde: {  	_ =	sdelay $0x3  }
0xdf: {  	v1 =	vmul.f32 v8, v1;
	[tilespmem:v2+s22+$0x0] =	vst.idx.add.f32.msk $0xffff, v13  }
0xe0: {  	[tilespmem:v3+s22+$0x0] =	vst.idx.add.f32.msk $0xffff, v6  }
0xe1: {  	[tilespmem:v4+s22+$0x0] =	vst.idx.add.f32.msk $0xffff, v1  }
0xe2: {  	_ =	swait.ge [sflag:s23], $0x800  }
0xe3: {  	[sflag:s23] =	ssyncset.done $0x0  }
0xe4: {  	[sflag:s23] =	ssyncadd.s32 $0xFFFFF800  }
0xe5: {  	_ =	swait.ge [sflag:s23], $0x800  }
0xe6: {  	[sflag:s23] =	ssyncset.done $0x0  }
0xe7: {  	[sflag:s23] =	ssyncadd.s32 $0xFFFFF800  }
0xe8: {  	s26 =	sadd.s32 s26, s11;
	_ =	swait.ge [sflag:s23], $0x800  }
0xe9: {  	s26 =	sshrl.u32 s26, $0x3;
	[sflag:s23] =	ssyncset.done $0x0  }
0xea: {  	s28 =	sadd.s32 s3, s26;
	[sflag:s23] =	ssyncadd.s32 $0xFFFFF800  }
0xeb: {  	[tilespmem:s15], [sflag:$0x1] =	stream.linear.gather [hbm4b:s28+s2], $0x800, $0x38;
	[tilespmem:$0x16880] =	vst v63  }
0xec: {  	s28 =	sadd.s32 s4, s26  }
0xed: {  	[tilespmem:s16], [sflag:$0x1] =	stream.linear.gather [hbm4b:s28+s2], $0x800, $0x38;
	[tilespmem:$0x16880] =	vst v63  }
0xee: {  	s29 =	simm.s32 $0x140C0;
	s26 =	sadd.s32 s5, s26  }
0xef: {  	[tilespmem:s17], [sflag:$0x1] =	stream.linear.gather [hbm4b:s26+s2], $0x800, $0x38;
	[tilespmem:$0x16880] =	vst v63  }
0xf0: {  	v11 =	vld [tilespmem:s29+$0x30]  }
0xf1: {  	v9 =	vld [tilespmem:s29+$0xFFFFFFD0]  }
0xf2: {  	v8 =	vld [tilespmem:s29+$0xFFFFFFE0]  }
0xf3: {  	v5 =	vld [tilespmem:s29+$0xFFFFFFF0]  }
0xf4: {  	v4 =	vld [tilespmem:s29+$0x0]  }
0xf5: {  	v2 =	vld [tilespmem:s29+$0x10]  }
0xf6: {  	s26 =	simm.s32 $0x150C0;
	v3 =	vld [tilespmem:s29+$0x20]  }
0xf7: {  	s28 =	simm.s32 $0x160C0;
	v12 =	vld [tilespmem:s26+$0x30]  }
0xf8: {  	v13 =	vld [tilespmem:s28+$0x30]  }
0xf9: {  	v14 =	vld [tilespmem:s29+$0xFFFFFFC0]  }
0xfa: {  	v22 =	vld [tilespmem:s28+$0xFFFFFFC0]  }
0xfb: {  	v23 =	vld [tilespmem:s28+$0xFFFFFFD0]  }
0xfc: {  	v25 =	vld [tilespmem:s28+$0xFFFFFFE0]  }
0xfd: {  	v10 =	vld [tilespmem:s28+$0xFFFFFFF0]  }
0xfe: {  	v1 =	vld.idx.msk [tilespmem:v11+s2+$0x0], $0xffff  }
0xff: {  	v26 =	vld [tilespmem:s26+$0xFFFFFFC0]  }
0x100: {  	v28 =	vld [tilespmem:s26+$0xFFFFFFD0]  }
0x101: {  	v29 =	vld [tilespmem:s26+$0xFFFFFFE0];
	v6 =	vadd.s32 $0x2710, v11  }
0x102: {  	v30 =	vld [tilespmem:s26+$0xFFFFFFF0]  }
0x103: {  	v31 =	vld [tilespmem:s26+$0x0];
	v1 =	vmul.f32 v1, v13  }
0x104: {  	v40 =	vld [tilespmem:s26+$0x10]  }
0x105: {  	[tilespmem:v12+s22+$0x0] =	vst.idx.add.f32.msk $0xffff, v1  }
0x106: {  	v1 =	vld.idx.msk [tilespmem:v6+s2+$0x0], $0xffff  }
0x107: {  	v41 =	vld [tilespmem:s26+$0x20]  }
0x108: {  	v7 =	vadd.s32 $0x2710, v12;
	v15 =	vld.idx.msk [tilespmem:v9+s2+$0x0], $0xffff  }
0x109: {  	v24 =	vadd.s32 $0x4E20, v11;
	v16 =	vld.idx.msk [tilespmem:v8+s2+$0x0], $0xffff  }
0x10a: {  	v20 =	vld.idx.msk [tilespmem:v14+s2+$0x0], $0xffff  }
0x10b: {  	v18 =	vld.idx.msk [tilespmem:v4+s2+$0x0], $0xffff;
	v1 =	vmul.f32 v1, v13  }
0x10c: {  	v6 =	vld [tilespmem:s28+$0x0]  }
0x10d: {  	[tilespmem:v7+s22+$0x0] =	vst.idx.add.f32.msk $0xffff, v1  }
0x10e: {  	v24 =	vld.idx.msk [tilespmem:v24+s2+$0x0], $0xffff  }
0x10f: {  	v17 =	vld.idx.msk [tilespmem:v5+s2+$0x0], $0xffff;
	v20 =	vmul.f32 v20, v22  }
0x110: {  	v27 =	vadd.s32 $0x4E20, v12;
	v19 =	vld.idx.msk [tilespmem:v2+s2+$0x0], $0xffff;
	v15 =	vmul.f32 v15, v23  }
0x111: {  	v11 =	vadd.s32 $0x7530, v11;
	v16 =	vmul.f32 v16, v25;
	[tilespmem:v26+s22+$0x0] =	vst.idx.add.f32.msk $0xffff, v20  }
0x112: {  	v42 =	vadd.s32 $0x2710, v14;
	[tilespmem:v28+s22+$0x0] =	vst.idx.add.f32.msk $0xffff, v15;
	v15 =	vmul.f32 v18, v6  }
0x113: {  	[tilespmem:v29+s22+$0x0] =	vst.idx.add.f32.msk $0xffff, v16;
	v24 =	vmul.f32 v24, v13  }
0x114: {  	[tilespmem:v31+s22+$0x0] =	vst.idx.add.f32.msk $0xffff, v15  }
0x115: {  	v15 =	vadd.s32 $0x2710, v8;
	[tilespmem:v27+s22+$0x0] =	vst.idx.add.f32.msk $0xffff, v24  }
0x116: {  	v11 =	vld.idx.msk [tilespmem:v11+s2+$0x0], $0xffff  }
0x117: {  	v16 =	vld.idx.msk [tilespmem:v42+s2+$0x0], $0xffff  }
0x118: {  	v12 =	vadd.s32 $0x7530, v12;
	v7 =	vld [tilespmem:s28+$0x10]  }
0x119: {  	v47 =	vadd.s32 $0x2710, v26;
	v21 =	vld.idx.msk [tilespmem:v3+s2+$0x0], $0xffff;
	v17 =	vmul.f32 v17, v10  }
0x11a: {  	v15 =	vld.idx.msk [tilespmem:v15+s2+$0x0], $0xffff  }
0x11b: {  	[tilespmem:v30+s22+$0x0] =	vst.idx.add.f32.msk $0xffff, v17;
	v11 =	vmul.f32 v11, v13;
	v13 =	vadd.s32 $0x2710, v9  }
0x11c: {  	v49 =	vadd.s32 $0x2710, v29;
	v16 =	vmul.f32 v16, v22;
	v1 =	vld [tilespmem:s28+$0x20]  }
0x11d: {  	v43 =	vmul.f32 v19, v7;
	[tilespmem:v12+s22+$0x0] =	vst.idx.add.f32.msk $0xffff, v11;
	v11 =	vadd.s32 $0x2710, v5  }
0x11e: {  	[tilespmem:v47+s22+$0x0] =	vst.idx.add.f32.msk $0xffff, v16;
	v12 =	vadd.s32 $0x2710, v4  }
0x11f: {  	[tilespmem:v40+s22+$0x0] =	vst.idx.add.f32.msk $0xffff, v43;
	v15 =	vmul.f32 v15, v25  }
0x120: {  	v45 =	vadd.s32 $0x2710, v2;
	v13 =	vld.idx.msk [tilespmem:v13+s2+$0x0], $0xffff  }
0x121: {  	v46 =	vadd.s32 $0x2710, v3;
	[tilespmem:v49+s22+$0x0] =	vst.idx.add.f32.msk $0xffff, v15  }
0x122: {  	v48 =	vadd.s32 $0x2710, v28;
	v44 =	vmul.f32 v21, v1;
	v11 =	vld.idx.msk [tilespmem:v11+s2+$0x0], $0xffff  }
0x123: {  	v15 =	vadd.s32 $0x4E20, v9;
	v12 =	vld.idx.msk [tilespmem:v12+s2+$0x0], $0xffff  }
0x124: {  	v32 =	vadd.s32 $0x2710, v30;
	[tilespmem:v41+s22+$0x0] =	vst.idx.add.f32.msk $0xffff, v44  }
0x125: {  	v33 =	vadd.s32 $0x2710, v31;
	v17 =	vld.idx.msk [tilespmem:v45+s2+$0x0], $0xffff;
	v13 =	vmul.f32 v13, v23  }
0x126: {  	v51 =	vadd.s32 $0x4E20, v8;
	v18 =	vld.idx.msk [tilespmem:v46+s2+$0x0], $0xffff  }
0x127: {  	v52 =	vadd.s32 $0x4E20, v5;
	[tilespmem:v48+s22+$0x0] =	vst.idx.add.f32.msk $0xffff, v13;
	v11 =	vmul.f32 v11, v10  }
0x128: {  	v34 =	vadd.s32 $0x2710, v40;
	v12 =	vmul.f32 v12, v6;
	v15 =	vld.idx.msk [tilespmem:v15+s2+$0x0], $0xffff  }
0x129: {  	v50 =	vadd.s32 $0x2710, v41;
	[tilespmem:v32+s22+$0x0] =	vst.idx.add.f32.msk $0xffff, v11  }
0x12a: {  	v13 =	vadd.s32 $0x4E20, v14;
	[tilespmem:v33+s22+$0x0] =	vst.idx.add.f32.msk $0xffff, v12  }
0x12b: {  	v53 =	vadd.s32 $0x4E20, v3;
	v11 =	vmul.f32 v17, v7;
	v17 =	vld.idx.msk [tilespmem:v51+s2+$0x0], $0xffff  }
0x12c: {  	v55 =	vadd.s32 $0x4E20, v28;
	v12 =	vmul.f32 v18, v1;
	v18 =	vld.idx.msk [tilespmem:v52+s2+$0x0], $0xffff  }
0x12d: {  	[tilespmem:v34+s22+$0x0] =	vst.idx.add.f32.msk $0xffff, v11;
	v11 =	vadd.s32 $0x4E20, v4  }
0x12e: {  	[tilespmem:v50+s22+$0x0] =	vst.idx.add.f32.msk $0xffff, v12;
	v12 =	vadd.s32 $0x4E20, v2  }
0x12f: {  	v9 =	vadd.s32 $0x7530, v9;
	v13 =	vld.idx.msk [tilespmem:v13+s2+$0x0], $0xffff;
	v15 =	vmul.f32 v15, v23  }
0x130: {  	v57 =	vadd.s32 $0x4E20, v30;
	v16 =	vld.idx.msk [tilespmem:v53+s2+$0x0], $0xffff  }
0x131: {  	v54 =	vadd.s32 $0x4E20, v26;
	[tilespmem:v55+s22+$0x0] =	vst.idx.add.f32.msk $0xffff, v15  }
0x132: {  	v5 =	vadd.s32 $0x7530, v5;
	v11 =	vld.idx.msk [tilespmem:v11+s2+$0x0], $0xffff  }
0x133: {  	v56 =	vadd.s32 $0x4E20, v29;
	v15 =	vmul.f32 v18, v10;
	v12 =	vld.idx.msk [tilespmem:v12+s2+$0x0], $0xffff  }
0x134: {  	v8 =	vadd.s32 $0x7530, v8;
	v9 =	vld.idx.msk [tilespmem:v9+s2+$0x0], $0xffff;
	v13 =	vmul.f32 v13, v22  }
0x135: {  	v58 =	vadd.s32 $0x4E20, v31;
	[tilespmem:v57+s22+$0x0] =	vst.idx.add.f32.msk $0xffff, v15  }
0x136: {  	v59 =	vadd.s32 $0x4E20, v40;
	[tilespmem:v54+s22+$0x0] =	vst.idx.add.f32.msk $0xffff, v13;
	v13 =	vmul.f32 v17, v25  }
0x137: {  	v60 =	vadd.s32 $0x4E20, v41;
	v5 =	vld.idx.msk [tilespmem:v5+s2+$0x0], $0xffff  }
0x138: {  	v14 =	vadd.s32 $0x7530, v14;
	[tilespmem:v56+s22+$0x0] =	vst.idx.add.f32.msk $0xffff, v13;
	v11 =	vmul.f32 v11, v6  }
0x139: {  	v4 =	vadd.s32 $0x7530, v4;
	v12 =	vmul.f32 v12, v7;
	v13 =	vld.idx.msk [tilespmem:v8+s2+$0x0], $0xffff  }
0x13a: {  	v2 =	vadd.s32 $0x7530, v2;
	[tilespmem:v58+s22+$0x0] =	vst.idx.add.f32.msk $0xffff, v11;
	v11 =	vmul.f32 v16, v1  }
0x13b: {  	v3 =	vadd.s32 $0x7530, v3;
	[tilespmem:v59+s22+$0x0] =	vst.idx.add.f32.msk $0xffff, v12  }
0x13c: {  	v62 =	vadd.s32 $0x7530, v30;
	[tilespmem:v60+s22+$0x0] =	vst.idx.add.f32.msk $0xffff, v11  }
0x13d: {  	v15 =	vadd.s32 $0x7530, v29;
	v11 =	vld.idx.msk [tilespmem:v14+s2+$0x0], $0xffff  }
0x13e: {  	v61 =	vld.idx.msk [tilespmem:v4+s2+$0x0], $0xffff;
	v14 =	vadd.s32 $0x7530, v28  }
0x13f: {  	v12 =	vadd.s32 $0x7530, v26;
	v5 =	vmul.f32 v5, v10;
	v63 =	vld.idx.msk [tilespmem:v2+s2+$0x0], $0xffff  }
0x140: {  	v8 =	vld.idx.msk [tilespmem:v3+s2+$0x0], $0xffff;
	v4 =	vmul.f32 v13, v25  }
0x141: {  	[tilespmem:v62+s22+$0x0] =	vst.idx.add.f32.msk $0xffff, v5;
	v3 =	vmul.f32 v9, v23  }
0x142: {  	[tilespmem:v15+s22+$0x0] =	vst.idx.add.f32.msk $0xffff, v4;
	v2 =	vmul.f32 v11, v22  }
0x143: {  	v4 =	vadd.s32 $0x7530, v41;
	v13 =	vmul.f32 v61, v6;
	[tilespmem:v14+s22+$0x0] =	vst.idx.add.f32.msk $0xffff, v3  }
0x144: {  	s30 =	simm.s32 $0x14140;
	s29 =	simm.s32 $0x0;
	v6 =	vmul.f32 v63, v7;
	v3 =	vadd.s32 $0x7530, v31;
	[tilespmem:v12+s22+$0x0] =	vst.idx.add.f32.msk $0xffff, v2;
	v2 =	vadd.s32 $0x7530, v40  }
.LBB2_7:
0x145: {  	v28 =	vld [tilespmem:s30+$0x30];
	s29 =	sadd.s32 $0x8, s29;
	v5 =	vmul.f32 v8, v1  }
0x146: {  	v1 =	vld [tilespmem:s30+$0xFFFFFFD0];
	p0 =	slt.u32 s29, $0x78  }
0x147: {  	v15 =	vld [tilespmem:s30+$0xFFFFFFE0]  }
0x148: {  	v16 =	vld [tilespmem:s30+$0xFFFFFFF0]  }
0x149: {  	v17 =	vld [tilespmem:s30+$0x0]  }
0x14a: {  	v18 =	vld [tilespmem:s30+$0x10]  }
0x14b: {  	s26 =	sadd.s32 $0x80, s26;
	v27 =	vadd.s32 $0x2710, v1;
	v14 =	vadd.s32 $0x4E20, v1;
	v7 =	vadd.s32 $0x7530, v1;
	v19 =	vld [tilespmem:s30+$0x20]  }
0x14c: {  	v29 =	vadd.s32 $0x2710, v15;
	v20 =	vadd.s32 $0x4E20, v15;
	v8 =	vadd.s32 $0x7530, v15;
	v36 =	vld [tilespmem:s26+$0x30]  }
0x14d: {  	s28 =	sadd.s32 $0x80, s28;
	v33 =	vadd.s32 $0x2710, v16;
	v22 =	vadd.s32 $0x4E20, v16;
	v9 =	vadd.s32 $0x7530, v16;
	v21 =	vld.idx.msk [tilespmem:v28+s2+$0x0], $0xffff  }
0x14e: {  	v35 =	vadd.s32 $0x2710, v17;
	v24 =	vadd.s32 $0x4E20, v17;
	v10 =	vadd.s32 $0x7530, v17;
	v37 =	vld [tilespmem:s28+$0x30]  }
0x14f: {  	v23 =	vld [tilespmem:s30+$0xFFFFFFC0];
	v38 =	vadd.s32 $0x2710, v18;
	v25 =	vadd.s32 $0x4E20, v18;
	v11 =	vadd.s32 $0x7530, v18  }
0x150: {  	v1 =	vld.idx.msk [tilespmem:v1+s2+$0x0], $0xffff;
	v39 =	vadd.s32 $0x2710, v19;
	v26 =	vadd.s32 $0x4E20, v19;
	v12 =	vadd.s32 $0x7530, v19  }
0x151: {  	v31 =	vld.idx.msk [tilespmem:v15+s2+$0x0], $0xffff;
	v15 =	vadd.s32 $0x2710, v28  }
0x152: {  	v32 =	vld.idx.msk [tilespmem:v16+s2+$0x0], $0xffff  }
0x153: {  	v34 =	vld.idx.msk [tilespmem:v17+s2+$0x0], $0xffff;
	v16 =	vmul.f32 v21, v37  }
0x154: {  	v40 =	vadd.s32 $0x2710, v23;
	v30 =	vadd.s32 $0x4E20, v23;
	v21 =	vadd.s32 $0x7530, v23;
	v41 =	vld.idx.msk [tilespmem:v18+s2+$0x0], $0xffff  }
0x155: {  	[tilespmem:v36+s22+$0x0] =	vst.idx.add.f32.msk $0xffff, v16  }
0x156: {  	v16 =	vld.idx.msk [tilespmem:v15+s2+$0x0], $0xffff  }
0x157: {  	v23 =	vld.idx.msk [tilespmem:v23+s2+$0x0], $0xffff  }
0x158: {  	v42 =	vld.idx.msk [tilespmem:v19+s2+$0x0], $0xffff  }
0x159: {  	v43 =	vadd.s32 $0x2710, v36;
	v18 =	vld [tilespmem:s28+$0xFFFFFFC0]  }
0x15a: {  	v44 =	vadd.s32 $0x4E20, v28;
	v19 =	vld [tilespmem:s28+$0xFFFFFFD0]  }
0x15b: {  	v17 =	vld [tilespmem:s28+$0xFFFFFFE0]  }
0x15c: {  	v45 =	vmul.f32 v16, v37;
	v15 =	vld [tilespmem:s28+$0xFFFFFFF0]  }
0x15d: {  	v16 =	vld [tilespmem:s28+$0x0]  }
0x15e: {  	v46 =	vmul.f32 v23, v18;
	[tilespmem:v43+s22+$0x0] =	vst.idx.add.f32.msk $0xffff, v45  }
0x15f: {  	v43 =	vmul.f32 v1, v19;
	v44 =	vld.idx.msk [tilespmem:v44+s2+$0x0], $0xffff  }
0x160: {  	v45 =	vmul.f32 v31, v17;
	v23 =	vld [tilespmem:s28+$0x10]  }
0x161: {  	v47 =	vmul.f32 v32, v15;
	v1 =	vld [tilespmem:s28+$0x20]  }
0x162: {  	v31 =	vadd.s32 $0x4E20, v36;
	v48 =	vld [tilespmem:s26+$0xFFFFFFC0];
	v49 =	vmul.f32 v34, v16  }
0x163: {  	v32 =	vadd.s32 $0x7530, v28;
	v50 =	vld [tilespmem:s26+$0xFFFFFFD0]  }
0x164: {  	v51 =	vld [tilespmem:s26+$0xFFFFFFE0]  }
0x165: {  	v34 =	vmul.f32 v44, v37;
	v52 =	vld [tilespmem:s26+$0xFFFFFFF0];
	v41 =	vmul.f32 v41, v23  }
0x166: {  	v44 =	vld [tilespmem:s26+$0x0];
	v42 =	vmul.f32 v42, v1  }
0x167: {  	v53 =	vadd.s32 $0x2710, v48;
	v54 =	vadd.s32 $0x4E20, v48;
	v28 =	vadd.s32 $0x7530, v48;
	[tilespmem:v31+s22+$0x0] =	vst.idx.add.f32.msk $0xffff, v34  }
0x168: {  	v55 =	vadd.s32 $0x2710, v50;
	v56 =	vadd.s32 $0x4E20, v50;
	v31 =	vadd.s32 $0x7530, v50;
	v57 =	vld.idx.msk [tilespmem:v32+s2+$0x0], $0xffff  }
0x169: {  	v58 =	vadd.s32 $0x2710, v51;
	v59 =	vadd.s32 $0x4E20, v51;
	v32 =	vadd.s32 $0x7530, v51;
	v60 =	vld [tilespmem:s26+$0x10]  }
0x16a: {  	v61 =	vadd.s32 $0x2710, v52;
	v62 =	vadd.s32 $0x4E20, v52;
	v34 =	vadd.s32 $0x7530, v52;
	v63 =	vld [tilespmem:s26+$0x20]  }
0x16b: {  	v36 =	vadd.s32 $0x7530, v36;
	[tilespmem:v48+s22+$0x0] =	vst.idx.add.f32.msk $0xffff, v46;
	v46 =	vadd.s32 $0x2710, v44;
	v48 =	vadd.s32 $0x4E20, v44  }
0x16c: {  	[tilespmem:v50+s22+$0x0] =	vst.idx.add.f32.msk $0xffff, v43;
	v43 =	vadd.s32 $0x7530, v44  }
0x16d: {  	[tilespmem:v51+s22+$0x0] =	vst.idx.add.f32.msk $0xffff, v45  }
0x16e: {  	v37 =	vmul.f32 v57, v37;
	[tilespmem:v52+s22+$0x0] =	vst.idx.add.f32.msk $0xffff, v47;
	v45 =	vadd.s32 $0x2710, v60;
	v47 =	vadd.s32 $0x4E20, v60  }
0x16f: {  	[tilespmem:v44+s22+$0x0] =	vst.idx.add.f32.msk $0xffff, v49;
	v44 =	vadd.s32 $0x7530, v60;
	v49 =	vadd.s32 $0x2710, v63;
	v50 =	vadd.s32 $0x4E20, v63  }
0x170: {  	v51 =	vadd.s32 $0x7530, v63;
	[tilespmem:v36+s22+$0x0] =	vst.idx.add.f32.msk $0xffff, v37  }
0x171: {  	[tilespmem:v60+s22+$0x0] =	vst.idx.add.f32.msk $0xffff, v41  }
0x172: {  	[tilespmem:v63+s22+$0x0] =	vst.idx.add.f32.msk $0xffff, v42  }
0x173: {  	v36 =	vld.idx.msk [tilespmem:v40+s2+$0x0], $0xffff  }
0x174: {  	v27 =	vld.idx.msk [tilespmem:v27+s2+$0x0], $0xffff  }
0x175: {  	v29 =	vld.idx.msk [tilespmem:v29+s2+$0x0], $0xffff  }
0x176: {  	v33 =	vld.idx.msk [tilespmem:v33+s2+$0x0], $0xffff  }
0x177: {  	v35 =	vld.idx.msk [tilespmem:v35+s2+$0x0], $0xffff  }
0x178: {  	v37 =	vld.idx.msk [tilespmem:v38+s2+$0x0], $0xffff  }
0x179: {  	v36 =	vmul.f32 v36, v18;
	v38 =	vld.idx.msk [tilespmem:v39+s2+$0x0], $0xffff  }
0x17a: {  	v27 =	vmul.f32 v27, v19;
	[tilespmem:v3+s22+$0x0] =	vst.idx.add.f32.msk $0xffff, v13;
	v3 =	vmov v43  }
0x17b: {  	v13 =	vmul.f32 v29, v17;
	[tilespmem:v53+s22+$0x0] =	vst.idx.add.f32.msk $0xffff, v36  }
0x17c: {  	[tilespmem:v55+s22+$0x0] =	vst.idx.add.f32.msk $0xffff, v27;
	v27 =	vmul.f32 v33, v15  }
0x17d: {  	[tilespmem:v58+s22+$0x0] =	vst.idx.add.f32.msk $0xffff, v13;
	v13 =	vmul.f32 v35, v16  }
0x17e: {  	[tilespmem:v61+s22+$0x0] =	vst.idx.add.f32.msk $0xffff, v27;
	v27 =	vmul.f32 v37, v23  }
0x17f: {  	[tilespmem:v46+s22+$0x0] =	vst.idx.add.f32.msk $0xffff, v13;
	v13 =	vmul.f32 v38, v1  }
0x180: {  	[tilespmem:v45+s22+$0x0] =	vst.idx.add.f32.msk $0xffff, v27  }
0x181: {  	[tilespmem:v49+s22+$0x0] =	vst.idx.add.f32.msk $0xffff, v13  }
0x182: {  	v13 =	vld.idx.msk [tilespmem:v30+s2+$0x0], $0xffff  }
0x183: {  	v14 =	vld.idx.msk [tilespmem:v14+s2+$0x0], $0xffff  }
0x184: {  	v20 =	vld.idx.msk [tilespmem:v20+s2+$0x0], $0xffff  }
0x185: {  	v22 =	vld.idx.msk [tilespmem:v22+s2+$0x0], $0xffff  }
0x186: {  	v24 =	vld.idx.msk [tilespmem:v24+s2+$0x0], $0xffff  }
0x187: {  	v25 =	vld.idx.msk [tilespmem:v25+s2+$0x0], $0xffff  }
0x188: {  	v13 =	vmul.f32 v13, v18;
	v26 =	vld.idx.msk [tilespmem:v26+s2+$0x0], $0xffff  }
0x189: {  	v14 =	vmul.f32 v14, v19;
	[tilespmem:v2+s22+$0x0] =	vst.idx.add.f32.msk $0xffff, v6;
	v2 =	vmov v44  }
0x18a: {  	v6 =	vmul.f32 v20, v17;
	[tilespmem:v54+s22+$0x0] =	vst.idx.add.f32.msk $0xffff, v13  }
0x18b: {  	v13 =	vmul.f32 v22, v15;
	[tilespmem:v56+s22+$0x0] =	vst.idx.add.f32.msk $0xffff, v14  }
0x18c: {  	[tilespmem:v59+s22+$0x0] =	vst.idx.add.f32.msk $0xffff, v6;
	v6 =	vmul.f32 v24, v16  }
0x18d: {  	[tilespmem:v62+s22+$0x0] =	vst.idx.add.f32.msk $0xffff, v13;
	v13 =	vmul.f32 v25, v23  }
0x18e: {  	[tilespmem:v48+s22+$0x0] =	vst.idx.add.f32.msk $0xffff, v6;
	v6 =	vmul.f32 v26, v1  }
0x18f: {  	[tilespmem:v47+s22+$0x0] =	vst.idx.add.f32.msk $0xffff, v13  }
0x190: {  	[tilespmem:v50+s22+$0x0] =	vst.idx.add.f32.msk $0xffff, v6  }
0x191: {  	v6 =	vld.idx.msk [tilespmem:v21+s2+$0x0], $0xffff  }
0x192: {  	v7 =	vld.idx.msk [tilespmem:v7+s2+$0x0], $0xffff  }
0x193: {  	v13 =	vld.idx.msk [tilespmem:v8+s2+$0x0], $0xffff  }
0x194: {  	v9 =	vld.idx.msk [tilespmem:v9+s2+$0x0], $0xffff  }
0x195: {  	v10 =	vld.idx.msk [tilespmem:v10+s2+$0x0], $0xffff  }
0x196: {  	v11 =	vld.idx.msk [tilespmem:v11+s2+$0x0], $0xffff  }
0x197: {  	v6 =	vmul.f32 v6, v18;
	v8 =	vld.idx.msk [tilespmem:v12+s2+$0x0], $0xffff  }
.Ltmp2:
0x198: {  	v7 =	vmul.f32 v7, v19;
	[tilespmem:v4+s22+$0x0] =	vst.idx.add.f32.msk $0xffff, v5;
	v4 =	vmov v51;
	(pc) =	sbr.rel @p0 .LBB2_7-.Ltmp2, $4  }
0x199: {  	v5 =	vmul.f32 v13, v17;
	[tilespmem:v28+s22+$0x0] =	vst.idx.add.f32.msk $0xffff, v6  }
0x19a: {  	v6 =	vmul.f32 v9, v15;
	[tilespmem:v31+s22+$0x0] =	vst.idx.add.f32.msk $0xffff, v7  }
0x19b: {  	v13 =	vmul.f32 v10, v16;
	[tilespmem:v32+s22+$0x0] =	vst.idx.add.f32.msk $0xffff, v5  }
0x19c: {  	s30 =	sadd.s32 $0x80, s30;
	[tilespmem:v34+s22+$0x0] =	vst.idx.add.f32.msk $0xffff, v6;
	v6 =	vmul.f32 v11, v23  }
0x19d: {  	s25 =	sadd.s32 $0x1, s25  }
0x19e: {  	p0 =	sne.s32 s25, $0x27  }
.Ltmp3:
0x19f: {  	_ = 	snop;
	(pc) =	sbr.rel @p0 .LBB2_4-.Ltmp3, $4  }
0x1a0: {  	_ = 	snop  }
0x1a1: {  	v1 =	vmul.f32 v8, v1;
	[tilespmem:v3+s22+$0x0] =	vst.idx.add.f32.msk $0xffff, v13  }
0x1a2: {  	[tilespmem:v2+s22+$0x0] =	vst.idx.add.f32.msk $0xffff, v6  }
0x1a3: {  	[tilespmem:v4+s22+$0x0] =	vst.idx.add.f32.msk $0xffff, v1  }
0x1a4: {  	_ =	swait.ge [sflag:s18], $0x800  }
0x1a5: {  	[sflag:s18] =	ssyncset.done $0x0  }
0x1a6: {  	[sflag:s18] =	ssyncadd.s32 $0xFFFFF800  }
0x1a7: {  	_ =	swait.ge [sflag:s18], $0x800  }
0x1a8: {  	[sflag:s18] =	ssyncset.done $0x0  }
0x1a9: {  	[sflag:s18] =	ssyncadd.s32 $0xFFFFF800  }
0x1aa: {  	_ =	swait.ge [sflag:s18], $0x800  }
0x1ab: {  	[sflag:s18] =	ssyncset.done $0x0  }
0x1ac: {  	s28 =	simm.s32 $0x138C0;
	[sflag:s18] =	ssyncadd.s32 $0xFFFFF800  }
0x1ad: {  	v11 =	vld [tilespmem:s28+$0x30]  }
0x1ae: {  	v9 =	vld [tilespmem:s28+$0xFFFFFFD0]  }
0x1af: {  	v8 =	vld [tilespmem:s28+$0xFFFFFFE0]  }
0x1b0: {  	v5 =	vld [tilespmem:s28+$0xFFFFFFF0]  }
0x1b1: {  	v4 =	vld [tilespmem:s28+$0x0]  }
0x1b2: {  	v2 =	vld [tilespmem:s28+$0x10]  }
0x1b3: {  	s25 =	simm.s32 $0x148C0;
	v3 =	vld [tilespmem:s28+$0x20]  }
0x1b4: {  	s26 =	simm.s32 $0x158C0;
	v12 =	vld [tilespmem:s25+$0x30]  }
0x1b5: {  	v13 =	vld [tilespmem:s26+$0x30]  }
0x1b6: {  	v14 =	vld [tilespmem:s28+$0xFFFFFFC0]  }
0x1b7: {  	v22 =	vld [tilespmem:s26+$0xFFFFFFC0]  }
0x1b8: {  	v23 =	vld [tilespmem:s26+$0xFFFFFFD0]  }
0x1b9: {  	v25 =	vld [tilespmem:s26+$0xFFFFFFE0]  }
0x1ba: {  	v10 =	vld [tilespmem:s26+$0xFFFFFFF0]  }
0x1bb: {  	v1 =	vld.idx.msk [tilespmem:v11+s2+$0x0], $0xffff  }
0x1bc: {  	v26 =	vld [tilespmem:s25+$0xFFFFFFC0]  }
0x1bd: {  	v28 =	vld [tilespmem:s25+$0xFFFFFFD0]  }
0x1be: {  	v29 =	vld [tilespmem:s25+$0xFFFFFFE0];
	v6 =	vadd.s32 $0x2710, v11  }
0x1bf: {  	v30 =	vld [tilespmem:s25+$0xFFFFFFF0]  }
0x1c0: {  	v31 =	vld [tilespmem:s25+$0x0];
	v1 =	vmul.f32 v1, v13  }
0x1c1: {  	v40 =	vld [tilespmem:s25+$0x10]  }
0x1c2: {  	[tilespmem:v12+s22+$0x0] =	vst.idx.add.f32.msk $0xffff, v1  }
0x1c3: {  	v1 =	vld.idx.msk [tilespmem:v6+s2+$0x0], $0xffff  }
0x1c4: {  	v41 =	vld [tilespmem:s25+$0x20]  }
0x1c5: {  	v7 =	vadd.s32 $0x2710, v12;
	v15 =	vld.idx.msk [tilespmem:v9+s2+$0x0], $0xffff  }
0x1c6: {  	v24 =	vadd.s32 $0x4E20, v11;
	v16 =	vld.idx.msk [tilespmem:v8+s2+$0x0], $0xffff  }
0x1c7: {  	v20 =	vld.idx.msk [tilespmem:v14+s2+$0x0], $0xffff  }
0x1c8: {  	v18 =	vld.idx.msk [tilespmem:v4+s2+$0x0], $0xffff;
	v1 =	vmul.f32 v1, v13  }
0x1c9: {  	v6 =	vld [tilespmem:s26+$0x0]  }
0x1ca: {  	[tilespmem:v7+s22+$0x0] =	vst.idx.add.f32.msk $0xffff, v1  }
0x1cb: {  	v24 =	vld.idx.msk [tilespmem:v24+s2+$0x0], $0xffff  }
0x1cc: {  	v17 =	vld.idx.msk [tilespmem:v5+s2+$0x0], $0xffff;
	v20 =	vmul.f32 v20, v22  }
0x1cd: {  	v27 =	vadd.s32 $0x4E20, v12;
	v19 =	vld.idx.msk [tilespmem:v2+s2+$0x0], $0xffff;
	v15 =	vmul.f32 v15, v23  }
0x1ce: {  	v11 =	vadd.s32 $0x7530, v11;
	v16 =	vmul.f32 v16, v25;
	[tilespmem:v26+s22+$0x0] =	vst.idx.add.f32.msk $0xffff, v20  }
0x1cf: {  	v42 =	vadd.s32 $0x2710, v14;
	[tilespmem:v28+s22+$0x0] =	vst.idx.add.f32.msk $0xffff, v15;
	v15 =	vmul.f32 v18, v6  }
0x1d0: {  	[tilespmem:v29+s22+$0x0] =	vst.idx.add.f32.msk $0xffff, v16;
	v24 =	vmul.f32 v24, v13  }
0x1d1: {  	[tilespmem:v31+s22+$0x0] =	vst.idx.add.f32.msk $0xffff, v15  }
0x1d2: {  	v15 =	vadd.s32 $0x2710, v8;
	[tilespmem:v27+s22+$0x0] =	vst.idx.add.f32.msk $0xffff, v24  }
0x1d3: {  	v11 =	vld.idx.msk [tilespmem:v11+s2+$0x0], $0xffff  }
0x1d4: {  	v16 =	vld.idx.msk [tilespmem:v42+s2+$0x0], $0xffff  }
0x1d5: {  	v12 =	vadd.s32 $0x7530, v12;
	v7 =	vld [tilespmem:s26+$0x10]  }
0x1d6: {  	v47 =	vadd.s32 $0x2710, v26;
	v21 =	vld.idx.msk [tilespmem:v3+s2+$0x0], $0xffff;
	v17 =	vmul.f32 v17, v10  }
0x1d7: {  	v15 =	vld.idx.msk [tilespmem:v15+s2+$0x0], $0xffff  }
0x1d8: {  	[tilespmem:v30+s22+$0x0] =	vst.idx.add.f32.msk $0xffff, v17;
	v11 =	vmul.f32 v11, v13;
	v13 =	vadd.s32 $0x2710, v9  }
0x1d9: {  	v49 =	vadd.s32 $0x2710, v29;
	v16 =	vmul.f32 v16, v22;
	v1 =	vld [tilespmem:s26+$0x20]  }
0x1da: {  	v43 =	vmul.f32 v19, v7;
	[tilespmem:v12+s22+$0x0] =	vst.idx.add.f32.msk $0xffff, v11;
	v11 =	vadd.s32 $0x2710, v5  }
0x1db: {  	[tilespmem:v47+s22+$0x0] =	vst.idx.add.f32.msk $0xffff, v16;
	v12 =	vadd.s32 $0x2710, v4  }
0x1dc: {  	[tilespmem:v40+s22+$0x0] =	vst.idx.add.f32.msk $0xffff, v43;
	v15 =	vmul.f32 v15, v25  }
0x1dd: {  	v45 =	vadd.s32 $0x2710, v2;
	v13 =	vld.idx.msk [tilespmem:v13+s2+$0x0], $0xffff  }
0x1de: {  	v46 =	vadd.s32 $0x2710, v3;
	[tilespmem:v49+s22+$0x0] =	vst.idx.add.f32.msk $0xffff, v15  }
0x1df: {  	v48 =	vadd.s32 $0x2710, v28;
	v44 =	vmul.f32 v21, v1;
	v11 =	vld.idx.msk [tilespmem:v11+s2+$0x0], $0xffff  }
0x1e0: {  	v15 =	vadd.s32 $0x4E20, v9;
	v12 =	vld.idx.msk [tilespmem:v12+s2+$0x0], $0xffff  }
0x1e1: {  	v32 =	vadd.s32 $0x2710, v30;
	[tilespmem:v41+s22+$0x0] =	vst.idx.add.f32.msk $0xffff, v44  }
0x1e2: {  	v33 =	vadd.s32 $0x2710, v31;
	v17 =	vld.idx.msk [tilespmem:v45+s2+$0x0], $0xffff;
	v13 =	vmul.f32 v13, v23  }
0x1e3: {  	v51 =	vadd.s32 $0x4E20, v8;
	v18 =	vld.idx.msk [tilespmem:v46+s2+$0x0], $0xffff  }
0x1e4: {  	v52 =	vadd.s32 $0x4E20, v5;
	[tilespmem:v48+s22+$0x0] =	vst.idx.add.f32.msk $0xffff, v13;
	v11 =	vmul.f32 v11, v10  }
0x1e5: {  	v34 =	vadd.s32 $0x2710, v40;
	v12 =	vmul.f32 v12, v6;
	v15 =	vld.idx.msk [tilespmem:v15+s2+$0x0], $0xffff  }
0x1e6: {  	v50 =	vadd.s32 $0x2710, v41;
	[tilespmem:v32+s22+$0x0] =	vst.idx.add.f32.msk $0xffff, v11  }
0x1e7: {  	v13 =	vadd.s32 $0x4E20, v14;
	[tilespmem:v33+s22+$0x0] =	vst.idx.add.f32.msk $0xffff, v12  }
0x1e8: {  	v53 =	vadd.s32 $0x4E20, v3;
	v11 =	vmul.f32 v17, v7;
	v17 =	vld.idx.msk [tilespmem:v51+s2+$0x0], $0xffff  }
0x1e9: {  	v55 =	vadd.s32 $0x4E20, v28;
	v12 =	vmul.f32 v18, v1;
	v18 =	vld.idx.msk [tilespmem:v52+s2+$0x0], $0xffff  }
0x1ea: {  	[tilespmem:v34+s22+$0x0] =	vst.idx.add.f32.msk $0xffff, v11;
	v11 =	vadd.s32 $0x4E20, v4  }
0x1eb: {  	[tilespmem:v50+s22+$0x0] =	vst.idx.add.f32.msk $0xffff, v12;
	v12 =	vadd.s32 $0x4E20, v2  }
0x1ec: {  	v9 =	vadd.s32 $0x7530, v9;
	v13 =	vld.idx.msk [tilespmem:v13+s2+$0x0], $0xffff;
	v15 =	vmul.f32 v15, v23  }
0x1ed: {  	v57 =	vadd.s32 $0x4E20, v30;
	v16 =	vld.idx.msk [tilespmem:v53+s2+$0x0], $0xffff  }
0x1ee: {  	v54 =	vadd.s32 $0x4E20, v26;
	[tilespmem:v55+s22+$0x0] =	vst.idx.add.f32.msk $0xffff, v15  }
0x1ef: {  	v5 =	vadd.s32 $0x7530, v5;
	v11 =	vld.idx.msk [tilespmem:v11+s2+$0x0], $0xffff  }
0x1f0: {  	v56 =	vadd.s32 $0x4E20, v29;
	v15 =	vmul.f32 v18, v10;
	v12 =	vld.idx.msk [tilespmem:v12+s2+$0x0], $0xffff  }
0x1f1: {  	v8 =	vadd.s32 $0x7530, v8;
	v9 =	vld.idx.msk [tilespmem:v9+s2+$0x0], $0xffff;
	v13 =	vmul.f32 v13, v22  }
0x1f2: {  	v58 =	vadd.s32 $0x4E20, v31;
	[tilespmem:v57+s22+$0x0] =	vst.idx.add.f32.msk $0xffff, v15  }
0x1f3: {  	v59 =	vadd.s32 $0x4E20, v40;
	[tilespmem:v54+s22+$0x0] =	vst.idx.add.f32.msk $0xffff, v13;
	v13 =	vmul.f32 v17, v25  }
0x1f4: {  	v60 =	vadd.s32 $0x4E20, v41;
	v5 =	vld.idx.msk [tilespmem:v5+s2+$0x0], $0xffff  }
0x1f5: {  	v14 =	vadd.s32 $0x7530, v14;
	[tilespmem:v56+s22+$0x0] =	vst.idx.add.f32.msk $0xffff, v13;
	v11 =	vmul.f32 v11, v6  }
0x1f6: {  	v4 =	vadd.s32 $0x7530, v4;
	v12 =	vmul.f32 v12, v7;
	v13 =	vld.idx.msk [tilespmem:v8+s2+$0x0], $0xffff  }
0x1f7: {  	v2 =	vadd.s32 $0x7530, v2;
	[tilespmem:v58+s22+$0x0] =	vst.idx.add.f32.msk $0xffff, v11;
	v11 =	vmul.f32 v16, v1  }
0x1f8: {  	v3 =	vadd.s32 $0x7530, v3;
	[tilespmem:v59+s22+$0x0] =	vst.idx.add.f32.msk $0xffff, v12  }
0x1f9: {  	v62 =	vadd.s32 $0x7530, v30;
	[tilespmem:v60+s22+$0x0] =	vst.idx.add.f32.msk $0xffff, v11  }
0x1fa: {  	v15 =	vadd.s32 $0x7530, v29;
	v11 =	vld.idx.msk [tilespmem:v14+s2+$0x0], $0xffff  }
0x1fb: {  	v61 =	vld.idx.msk [tilespmem:v4+s2+$0x0], $0xffff;
	v14 =	vadd.s32 $0x7530, v28  }
0x1fc: {  	v12 =	vadd.s32 $0x7530, v26;
	v5 =	vmul.f32 v5, v10;
	v63 =	vld.idx.msk [tilespmem:v2+s2+$0x0], $0xffff  }
0x1fd: {  	v8 =	vld.idx.msk [tilespmem:v3+s2+$0x0], $0xffff;
	v4 =	vmul.f32 v13, v25  }
0x1fe: {  	[tilespmem:v62+s22+$0x0] =	vst.idx.add.f32.msk $0xffff, v5;
	v3 =	vmul.f32 v9, v23  }
0x1ff: {  	[tilespmem:v15+s22+$0x0] =	vst.idx.add.f32.msk $0xffff, v4;
	v2 =	vmul.f32 v11, v22  }
0x200: {  	v4 =	vadd.s32 $0x7530, v41;
	v13 =	vmul.f32 v61, v6;
	[tilespmem:v14+s22+$0x0] =	vst.idx.add.f32.msk $0xffff, v3  }
0x201: {  	s29 =	simm.s32 $0x13940;
	s28 =	simm.s32 $0x0;
	v6 =	vmul.f32 v63, v7;
	v3 =	vadd.s32 $0x7530, v40;
	[tilespmem:v12+s22+$0x0] =	vst.idx.add.f32.msk $0xffff, v2;
	v2 =	vadd.s32 $0x7530, v31  }
.LBB2_10:
0x202: {  	v28 =	vld [tilespmem:s29+$0x30];
	s28 =	sadd.s32 $0x8, s28;
	v5 =	vmul.f32 v8, v1  }
0x203: {  	v1 =	vld [tilespmem:s29+$0xFFFFFFD0];
	p0 =	slt.u32 s28, $0x78  }
0x204: {  	v15 =	vld [tilespmem:s29+$0xFFFFFFE0]  }
0x205: {  	v16 =	vld [tilespmem:s29+$0xFFFFFFF0]  }
0x206: {  	v17 =	vld [tilespmem:s29+$0x0]  }
0x207: {  	v18 =	vld [tilespmem:s29+$0x10]  }
0x208: {  	s25 =	sadd.s32 $0x80, s25;
	v27 =	vadd.s32 $0x2710, v1;
	v14 =	vadd.s32 $0x4E20, v1;
	v7 =	vadd.s32 $0x7530, v1;
	v19 =	vld [tilespmem:s29+$0x20]  }
0x209: {  	v29 =	vadd.s32 $0x2710, v15;
	v20 =	vadd.s32 $0x4E20, v15;
	v8 =	vadd.s32 $0x7530, v15;
	v36 =	vld [tilespmem:s25+$0x30]  }
0x20a: {  	s26 =	sadd.s32 $0x80, s26;
	v33 =	vadd.s32 $0x2710, v16;
	v22 =	vadd.s32 $0x4E20, v16;
	v9 =	vadd.s32 $0x7530, v16;
	v21 =	vld.idx.msk [tilespmem:v28+s2+$0x0], $0xffff  }
0x20b: {  	v35 =	vadd.s32 $0x2710, v17;
	v24 =	vadd.s32 $0x4E20, v17;
	v10 =	vadd.s32 $0x7530, v17;
	v37 =	vld [tilespmem:s26+$0x30]  }
0x20c: {  	v23 =	vld [tilespmem:s29+$0xFFFFFFC0];
	v38 =	vadd.s32 $0x2710, v18;
	v25 =	vadd.s32 $0x4E20, v18;
	v11 =	vadd.s32 $0x7530, v18  }
0x20d: {  	v1 =	vld.idx.msk [tilespmem:v1+s2+$0x0], $0xffff;
	v39 =	vadd.s32 $0x2710, v19;
	v26 =	vadd.s32 $0x4E20, v19;
	v12 =	vadd.s32 $0x7530, v19  }
0x20e: {  	v31 =	vld.idx.msk [tilespmem:v15+s2+$0x0], $0xffff;
	v15 =	vadd.s32 $0x2710, v28  }
0x20f: {  	v32 =	vld.idx.msk [tilespmem:v16+s2+$0x0], $0xffff  }
0x210: {  	v34 =	vld.idx.msk [tilespmem:v17+s2+$0x0], $0xffff;
	v16 =	vmul.f32 v21, v37  }
0x211: {  	v40 =	vadd.s32 $0x2710, v23;
	v30 =	vadd.s32 $0x4E20, v23;
	v21 =	vadd.s32 $0x7530, v23;
	v41 =	vld.idx.msk [tilespmem:v18+s2+$0x0], $0xffff  }
0x212: {  	[tilespmem:v36+s22+$0x0] =	vst.idx.add.f32.msk $0xffff, v16  }
0x213: {  	v16 =	vld.idx.msk [tilespmem:v15+s2+$0x0], $0xffff  }
0x214: {  	v23 =	vld.idx.msk [tilespmem:v23+s2+$0x0], $0xffff  }
0x215: {  	v42 =	vld.idx.msk [tilespmem:v19+s2+$0x0], $0xffff  }
0x216: {  	v43 =	vadd.s32 $0x2710, v36;
	v18 =	vld [tilespmem:s26+$0xFFFFFFC0]  }
0x217: {  	v44 =	vadd.s32 $0x4E20, v28;
	v19 =	vld [tilespmem:s26+$0xFFFFFFD0]  }
0x218: {  	v17 =	vld [tilespmem:s26+$0xFFFFFFE0]  }
0x219: {  	v45 =	vmul.f32 v16, v37;
	v15 =	vld [tilespmem:s26+$0xFFFFFFF0]  }
0x21a: {  	v16 =	vld [tilespmem:s26+$0x0]  }
0x21b: {  	v46 =	vmul.f32 v23, v18;
	[tilespmem:v43+s22+$0x0] =	vst.idx.add.f32.msk $0xffff, v45  }
0x21c: {  	v43 =	vmul.f32 v1, v19;
	v44 =	vld.idx.msk [tilespmem:v44+s2+$0x0], $0xffff  }
0x21d: {  	v45 =	vmul.f32 v31, v17;
	v23 =	vld [tilespmem:s26+$0x10]  }
0x21e: {  	v47 =	vmul.f32 v32, v15;
	v1 =	vld [tilespmem:s26+$0x20]  }
0x21f: {  	v31 =	vadd.s32 $0x4E20, v36;
	v48 =	vld [tilespmem:s25+$0xFFFFFFC0];
	v49 =	vmul.f32 v34, v16  }
0x220: {  	v32 =	vadd.s32 $0x7530, v28;
	v50 =	vld [tilespmem:s25+$0xFFFFFFD0]  }
0x221: {  	v51 =	vld [tilespmem:s25+$0xFFFFFFE0]  }
0x222: {  	v34 =	vmul.f32 v44, v37;
	v52 =	vld [tilespmem:s25+$0xFFFFFFF0];
	v41 =	vmul.f32 v41, v23  }
0x223: {  	v44 =	vld [tilespmem:s25+$0x0];
	v42 =	vmul.f32 v42, v1  }
0x224: {  	v53 =	vadd.s32 $0x2710, v48;
	v54 =	vadd.s32 $0x4E20, v48;
	v28 =	vadd.s32 $0x7530, v48;
	[tilespmem:v31+s22+$0x0] =	vst.idx.add.f32.msk $0xffff, v34  }
0x225: {  	v55 =	vadd.s32 $0x2710, v50;
	v56 =	vadd.s32 $0x4E20, v50;
	v31 =	vadd.s32 $0x7530, v50;
	v57 =	vld.idx.msk [tilespmem:v32+s2+$0x0], $0xffff  }
0x226: {  	v58 =	vadd.s32 $0x2710, v51;
	v59 =	vadd.s32 $0x4E20, v51;
	v32 =	vadd.s32 $0x7530, v51;
	v60 =	vld [tilespmem:s25+$0x10]  }
0x227: {  	v61 =	vadd.s32 $0x2710, v52;
	v62 =	vadd.s32 $0x4E20, v52;
	v34 =	vadd.s32 $0x7530, v52;
	v63 =	vld [tilespmem:s25+$0x20]  }
0x228: {  	v36 =	vadd.s32 $0x7530, v36;
	[tilespmem:v48+s22+$0x0] =	vst.idx.add.f32.msk $0xffff, v46;
	v46 =	vadd.s32 $0x2710, v44;
	v48 =	vadd.s32 $0x4E20, v44  }
0x229: {  	[tilespmem:v50+s22+$0x0] =	vst.idx.add.f32.msk $0xffff, v43;
	v43 =	vadd.s32 $0x7530, v44  }
0x22a: {  	[tilespmem:v51+s22+$0x0] =	vst.idx.add.f32.msk $0xffff, v45  }
0x22b: {  	v37 =	vmul.f32 v57, v37;
	[tilespmem:v52+s22+$0x0] =	vst.idx.add.f32.msk $0xffff, v47;
	v45 =	vadd.s32 $0x2710, v60;
	v47 =	vadd.s32 $0x4E20, v60  }
0x22c: {  	[tilespmem:v44+s22+$0x0] =	vst.idx.add.f32.msk $0xffff, v49;
	v44 =	vadd.s32 $0x7530, v60;
	v49 =	vadd.s32 $0x2710, v63;
	v50 =	vadd.s32 $0x4E20, v63  }
0x22d: {  	v51 =	vadd.s32 $0x7530, v63;
	[tilespmem:v36+s22+$0x0] =	vst.idx.add.f32.msk $0xffff, v37  }
0x22e: {  	[tilespmem:v60+s22+$0x0] =	vst.idx.add.f32.msk $0xffff, v41  }
0x22f: {  	[tilespmem:v63+s22+$0x0] =	vst.idx.add.f32.msk $0xffff, v42  }
0x230: {  	v36 =	vld.idx.msk [tilespmem:v40+s2+$0x0], $0xffff  }
0x231: {  	v27 =	vld.idx.msk [tilespmem:v27+s2+$0x0], $0xffff  }
0x232: {  	v29 =	vld.idx.msk [tilespmem:v29+s2+$0x0], $0xffff  }
0x233: {  	v33 =	vld.idx.msk [tilespmem:v33+s2+$0x0], $0xffff  }
0x234: {  	v35 =	vld.idx.msk [tilespmem:v35+s2+$0x0], $0xffff  }
0x235: {  	v37 =	vld.idx.msk [tilespmem:v38+s2+$0x0], $0xffff  }
0x236: {  	v36 =	vmul.f32 v36, v18;
	v38 =	vld.idx.msk [tilespmem:v39+s2+$0x0], $0xffff  }
0x237: {  	v27 =	vmul.f32 v27, v19;
	[tilespmem:v2+s22+$0x0] =	vst.idx.add.f32.msk $0xffff, v13;
	v2 =	vmov v43  }
0x238: {  	v13 =	vmul.f32 v29, v17;
	[tilespmem:v53+s22+$0x0] =	vst.idx.add.f32.msk $0xffff, v36  }
0x239: {  	[tilespmem:v55+s22+$0x0] =	vst.idx.add.f32.msk $0xffff, v27;
	v27 =	vmul.f32 v33, v15  }
0x23a: {  	[tilespmem:v58+s22+$0x0] =	vst.idx.add.f32.msk $0xffff, v13;
	v13 =	vmul.f32 v35, v16  }
0x23b: {  	[tilespmem:v61+s22+$0x0] =	vst.idx.add.f32.msk $0xffff, v27;
	v27 =	vmul.f32 v37, v23  }
0x23c: {  	[tilespmem:v46+s22+$0x0] =	vst.idx.add.f32.msk $0xffff, v13;
	v13 =	vmul.f32 v38, v1  }
0x23d: {  	[tilespmem:v45+s22+$0x0] =	vst.idx.add.f32.msk $0xffff, v27  }
0x23e: {  	[tilespmem:v49+s22+$0x0] =	vst.idx.add.f32.msk $0xffff, v13  }
0x23f: {  	v13 =	vld.idx.msk [tilespmem:v30+s2+$0x0], $0xffff  }
0x240: {  	v14 =	vld.idx.msk [tilespmem:v14+s2+$0x0], $0xffff  }
0x241: {  	v20 =	vld.idx.msk [tilespmem:v20+s2+$0x0], $0xffff  }
0x242: {  	v22 =	vld.idx.msk [tilespmem:v22+s2+$0x0], $0xffff  }
0x243: {  	v24 =	vld.idx.msk [tilespmem:v24+s2+$0x0], $0xffff  }
0x244: {  	v25 =	vld.idx.msk [tilespmem:v25+s2+$0x0], $0xffff  }
0x245: {  	v13 =	vmul.f32 v13, v18;
	v26 =	vld.idx.msk [tilespmem:v26+s2+$0x0], $0xffff  }
0x246: {  	v14 =	vmul.f32 v14, v19;
	[tilespmem:v3+s22+$0x0] =	vst.idx.add.f32.msk $0xffff, v6;
	v3 =	vmov v44  }
0x247: {  	v6 =	vmul.f32 v20, v17;
	[tilespmem:v54+s22+$0x0] =	vst.idx.add.f32.msk $0xffff, v13  }
0x248: {  	v13 =	vmul.f32 v22, v15;
	[tilespmem:v56+s22+$0x0] =	vst.idx.add.f32.msk $0xffff, v14  }
0x249: {  	[tilespmem:v59+s22+$0x0] =	vst.idx.add.f32.msk $0xffff, v6;
	v6 =	vmul.f32 v24, v16  }
0x24a: {  	[tilespmem:v62+s22+$0x0] =	vst.idx.add.f32.msk $0xffff, v13;
	v13 =	vmul.f32 v25, v23  }
0x24b: {  	[tilespmem:v48+s22+$0x0] =	vst.idx.add.f32.msk $0xffff, v6;
	v6 =	vmul.f32 v26, v1  }
0x24c: {  	[tilespmem:v47+s22+$0x0] =	vst.idx.add.f32.msk $0xffff, v13  }
0x24d: {  	[tilespmem:v50+s22+$0x0] =	vst.idx.add.f32.msk $0xffff, v6  }
0x24e: {  	v6 =	vld.idx.msk [tilespmem:v21+s2+$0x0], $0xffff  }
0x24f: {  	v7 =	vld.idx.msk [tilespmem:v7+s2+$0x0], $0xffff  }
0x250: {  	v13 =	vld.idx.msk [tilespmem:v8+s2+$0x0], $0xffff  }
0x251: {  	v9 =	vld.idx.msk [tilespmem:v9+s2+$0x0], $0xffff  }
0x252: {  	v10 =	vld.idx.msk [tilespmem:v10+s2+$0x0], $0xffff  }
0x253: {  	v11 =	vld.idx.msk [tilespmem:v11+s2+$0x0], $0xffff  }
0x254: {  	v6 =	vmul.f32 v6, v18;
	v8 =	vld.idx.msk [tilespmem:v12+s2+$0x0], $0xffff  }
.Ltmp4:
0x255: {  	v7 =	vmul.f32 v7, v19;
	[tilespmem:v4+s22+$0x0] =	vst.idx.add.f32.msk $0xffff, v5;
	v4 =	vmov v51;
	(pc) =	sbr.rel @p0 .LBB2_10-.Ltmp4, $4  }
0x256: {  	v5 =	vmul.f32 v13, v17;
	[tilespmem:v28+s22+$0x0] =	vst.idx.add.f32.msk $0xffff, v6  }
0x257: {  	v6 =	vmul.f32 v9, v15;
	[tilespmem:v31+s22+$0x0] =	vst.idx.add.f32.msk $0xffff, v7  }
0x258: {  	v13 =	vmul.f32 v10, v16;
	[tilespmem:v32+s22+$0x0] =	vst.idx.add.f32.msk $0xffff, v5  }
0x259: {  	s29 =	sadd.s32 $0x80, s29;
	[tilespmem:v34+s22+$0x0] =	vst.idx.add.f32.msk $0xffff, v6;
	v6 =	vmul.f32 v11, v23  }
0x25a: {  	_ =	sdelay $0x3  }
0x25b: {  	v1 =	vmul.f32 v8, v1;
	[tilespmem:v2+s22+$0x0] =	vst.idx.add.f32.msk $0xffff, v13;
	s24 =	sadd.s32 $0x1, s24  }
0x25c: {  	[tilespmem:v3+s22+$0x0] =	vst.idx.add.f32.msk $0xffff, v6;
	p0 =	sne.s32 s24, s13  }
.Ltmp5:
0x25d: {  	[tilespmem:v4+s22+$0x0] =	vst.idx.add.f32.msk $0xffff, v1;
	(pc) =	sbr.rel @p0 .LBB2_1-.Ltmp5, $4  }
0x25e: {  	[hbm4b:s12+s2] =	stream.linear.scatter [tilespmem:s22], [sflag:$0x3], $0x9C40, $0x38;
	[tilespmem:$0x16880] =	vst v63  }
0x25f: {  	_ =	swait.ge [sflag:s14], $0x9C40  }
0x260: {  	[sflag:s14] =	ssyncset.done $0x0  }
0x261: {  	[sflag:s14] =	ssyncadd.s32 $0xFFFF63C0  }
0x262: {  	_ =	sfence.sel $0x180000  }
0x263: {  	[bflag:$0x0] =	sbarrier.arrive $0xFFFF  }
0x264: {  	p0 =	sne.s32 s1, $0x0;
	_ =	strace $0x90000047  }
0x265: {  	s0 =	sadd.s32 @!p0 $0x100000, s0;
	[bflag:$0x2] =	sbarrier.arrive $0xFFFF  }
0x266: {  	[sflag:s0] =	ssyncadd.tile.s32 @!p0 $0x1;
	_ =	shalt  }
.Lfunc_end2:
_tile_overlayer_lowered:
.L_overlay_start_2:
0x267: {  	(tag) =	ssettag $0x2  }
0x268: {  	s0 =	rddreg [dreg:$0x0];
	s2 =	stileid.u32  }
0x269: {  	s1 =	rddreg [dreg:$0x1];
	p0 =	sne.s32 s2, $0x0  }
0x26a: {  	s3 =	rddreg [dreg:$0x2];
	[bflag:$0x3] =	sbarrier.arrive $0xFFFF;
	s2 =	simm.s32 @!p0 $0x1C03  }
0x26b: {  	[timem:s3], [sflag:s2] =	dma.local @!p0 [hbm:s0], s1  }
0x26c: {  	s0 =	simm.s32 @!p0 $0x3  }
0x26d: {  	_ =	swait.ge @!p0 [sflag:s0], s1  }
0x26e: {  	s1 =	ssub.s32 @!p0 $0x0, s1;
	[sflag:s0] =	ssyncset.done @!p0 $0x0  }
0x26f: {  	[sflag:s0] =	ssyncadd.s32 @!p0 s1  }
0x270: {  	[bflag:$0x3] =	sbarrier.arrive $0xFFFF  }
0x271: {  	_ =	shalt  }

</sc_bundles>
